<compile_context>
chip_gen: v7x
topology: tpu7x:2x2x1
jax: 0.10.2.dev20260603
libtpu: 0.0.44.dev20260713+nightly
codegen_flags: <defaults>
</compile_context>

<pallas_src>
import functools

import jax
import jax.numpy as jnp
from jax import lax
from jax.experimental import pallas as pl
from jax.experimental.pallas import tpu as pltpu
from jax.experimental.pallas import tpu_sc as plsc

B, S, D, E, K = 4, 8192, 768, 8, 2
N = B * S
NCHUNK = 2
NH = N // NCHUNK
T = 4096
NC, NS, L = 2, 16, 16
NW = NC * NS
TOK_W = NH // NW


def _router_block(x_ref, wt_ref, weights_t_ref):
    x = x_ref[...]
    wt = wt_ref[...]
    logits_t = lax.dot_general(
        wt, x, (((1,), (1,)), ((), ())), preferred_element_type=jnp.float32
    )
    m1 = jnp.max(logits_t, axis=0, keepdims=True)
    ex = jnp.exp(logits_t - m1)
    weights_t_ref[...] = ex / jnp.sum(ex, axis=0, keepdims=True)


def _tc_softmax(n):
    return pl.pallas_call(
        _router_block,
        grid=(n // T,),
        in_specs=[
            pl.BlockSpec((T, D), lambda i: (i, 0)),
            pl.BlockSpec((E, D), lambda i: (0, 0)),
        ],
        out_specs=pl.BlockSpec((E, T), lambda i: (0, i)),
        out_shape=jax.ShapeDtypeStruct((E, n), jnp.float32),
    )


@functools.partial(
    pl.kernel,
    mesh=plsc.VectorSubcoreMesh(core_axis_name="c", subcore_axis_name="s"),
    out_type=[
        jax.ShapeDtypeStruct((K, NH), jnp.float32),
        jax.ShapeDtypeStruct((K, NH), jnp.int32),
    ],
    scratch_types=[
        pltpu.VMEM((E, TOK_W), jnp.float32),
        pltpu.VMEM((K, TOK_W), jnp.float32),
        pltpu.VMEM((K, TOK_W), jnp.int32),
    ],
)
def _sc_top2(w_hbm, topw_hbm, tope_hbm, w_v, topw_v, tope_v):
    wid = lax.axis_index("s") * NC + lax.axis_index("c")
    base = wid * TOK_W
    pltpu.sync_copy(w_hbm.at[:, pl.ds(base, TOK_W)], w_v)

    def body(g, carry):
        col = g * L
        rows = [w_v[e, pl.ds(col, L)] for e in range(E)]
        m1 = rows[0]
        id1 = jnp.zeros((L,), jnp.int32)
        for e in range(1, E):
            gt = rows[e] > m1
            m1 = jnp.where(gt, rows[e], m1)
            id1 = jnp.where(gt, jnp.int32(e), id1)
        m2 = jnp.full((L,), -1.0, jnp.float32)
        id2 = jnp.zeros((L,), jnp.int32)
        for e in range(E):
            take = (rows[e] > m2) & (id1 != jnp.int32(e))
            m2 = jnp.where(take, rows[e], m2)
            id2 = jnp.where(take, jnp.int32(e), id2)
        ssum = m1 + m2
        topw_v[0, pl.ds(col, L)] = m1 / ssum
        topw_v[1, pl.ds(col, L)] = m2 / ssum
        tope_v[0, pl.ds(col, L)] = id1
        tope_v[1, pl.ds(col, L)] = id2
        return carry

    lax.fori_loop(0, TOK_W // L, body, 0)
    pltpu.sync_copy(topw_v, topw_hbm.at[:, pl.ds(base, TOK_W)])
    pltpu.sync_copy(tope_v, tope_hbm.at[:, pl.ds(base, TOK_W)])


@jax.jit
def kernel(x, W):
    xf = x.reshape(N, D)
    wt = W.T
    w_halves = [_tc_softmax(NH)(xf[h * NH:(h + 1) * NH], wt)
                for h in range(NCHUNK)]
    top_halves = [_sc_top2(wh) for wh in w_halves]
    weights_t = jnp.concatenate(w_halves, axis=1)
    topw_t = jnp.concatenate([t[0] for t in top_halves], axis=1)
    tope_t = jnp.concatenate([t[1] for t in top_halves], axis=1)
    return (
        weights_t.T.reshape(B, S, E),
        topw_t.T.reshape(B, S, K),
        tope_t.T.reshape(B, S, K),
    )

# --- scband reference (transcript-rebuilt; emitter-appended) ---
"""Pipeline reference for scband-dbrx-router-14955076125244 (READ-ONLY COPY).

The authoritative reference and input builder live on the scoring server;
editing this copy changes nothing except your own understanding.
"""

import jax, jax.numpy as jnp
import numpy as np

B, S, D, E, K = 4, 8192, 768, 8, 2


def setup_inputs(seed: int = 0) -> dict:
    key = jax.random.key(seed)
    k1, k2 = jax.random.split(key)
    x = jax.random.normal(k1, (B, S, D), dtype=jnp.float32)
    W = jax.random.normal(k2, (D, E), dtype=jnp.float32) * 0.02
    return {"x": x, "W": W}


def reference(x, W):
    # Router projection (ColumnParallelLinear, no bias), computed in float32
    logits = jnp.einsum('bsd,de->bse', x.astype(jnp.float32), W.astype(jnp.float32))
    # Softmax over experts in float32
    weights = jax.nn.softmax(logits.astype(jnp.float32), axis=-1)
    # Top-k expert selection
    top_weights, top_experts = jax.lax.top_k(weights, K)
    # moe_normalize_expert_weights = 1 -> L1 normalization of top-k weights
    top_weights = top_weights / jnp.linalg.norm(top_weights, ord=1, axis=-1, keepdims=True)
    # uniform_expert_assignment = False -> keep router-selected experts
    weights = weights.astype(x.dtype)
    top_weights = top_weights.astype(x.dtype)
    return (weights, top_weights, top_experts)

if __name__ == "__main__":
    import jax
    _d = setup_inputs()
    print(jax.jit(kernel)(*tuple(_d.values())))

</pallas_src>

<mosaic_0001>
#map = affine_map<(d0, d1) -> (0, 0)>
module attributes {stable_mosaic.version = 14 : i64} {
  func.func @_sc_top2(%arg0: i32, %arg1: i32, %arg2: memref<8x16384xf32, #tpu.memory_space<hbm>>, %arg3: memref<2x16384xf32, #tpu.memory_space<hbm>>, %arg4: memref<2x16384xi32, #tpu.memory_space<hbm>>, %arg5: memref<8x512xf32, #tpu.memory_space<vmem>>, %arg6: memref<2x512xf32, #tpu.memory_space<vmem>>, %arg7: memref<2x512xi32, #tpu.memory_space<vmem>>) attributes {dimension_semantics = [#tpu.dimension_semantics<core_parallel>, #tpu.dimension_semantics<subcore_parallel>], iteration_bounds = array<i64: 2, 16>, scalar_prefetch = 0 : i64, scratch_operands = 3 : i64, tpu.core_type = #tpu.core_type<sc_vector_subcore>, window_params = [{transform_indices = #map}, {transform_indices = #map}, {transform_indices = #map}]} {
    %mul3A = arith.constant 2 : i32
    %mul3A_0 = arith.muli %arg1, %mul3A : i32
    %add3A = arith.addi %mul3A_0, %arg0 : i32
    %mul3A_1 = arith.constant 512 : i32
    %mul3A_2 = arith.muli %add3A, %mul3A_1 : i32
    "tpu.region"() ({
      %run_scoped3A = tpu.sem_alloc : memref<!tpu.dma_semaphore, #tpu.memory_space<semaphore_mem>>
      %dma_start3A = arith.constant 0 : i32
      %dma_start3A_8 = tpu.memref_slice %arg2[%dma_start3A, %mul3A_2] : memref<8x16384xf32, #tpu.memory_space<hbm>> -> memref<8x512xf32, #tpu.memory_space<hbm>>
      %dma_start3A_9 = arith.constant 0 : i32
      %dma_start3A_10 = tpu.memref_slice %arg2[%dma_start3A_9, %mul3A_2] : memref<8x16384xf32, #tpu.memory_space<hbm>> -> memref<8x512xf32, #tpu.memory_space<hbm>>
      tpu.enqueue_dma source(%dma_start3A_10 : memref<8x512xf32, #tpu.memory_space<hbm>>) target(%arg5 : memref<8x512xf32, #tpu.memory_space<vmem>>) target_semaphore(%run_scoped3A : memref<!tpu.dma_semaphore, #tpu.memory_space<semaphore_mem>>)
      %dma_wait3A = arith.constant 0 : i32
      %dma_wait3A_11 = tpu.memref_slice %arg2[%dma_wait3A, %mul3A_2] : memref<8x16384xf32, #tpu.memory_space<hbm>> -> memref<8x512xf32, #tpu.memory_space<hbm>>
      %dma_wait3A_12 = arith.constant 0 : i32
      %dma_wait3A_13 = tpu.memref_slice %arg2[%dma_wait3A_12, %mul3A_2] : memref<8x16384xf32, #tpu.memory_space<hbm>> -> memref<8x512xf32, #tpu.memory_space<hbm>>
      tpu.wait_dma2 semaphore(%run_scoped3A : memref<!tpu.dma_semaphore, #tpu.memory_space<semaphore_mem>>) src(%dma_wait3A_13 : memref<8x512xf32, #tpu.memory_space<hbm>>) dst(%arg5 : memref<8x512xf32, #tpu.memory_space<vmem>>)
      tpu.yield
    }) : () -> ()
    %scan3A = arith.constant 0 : i32
    %scan3A_3 = arith.constant 0 : i32
    %scan3A_4 = arith.constant 32 : i32
    %scan3A_5 = arith.addi %scan3A_3, %scan3A_4 : i32
    %scan3A_6 = arith.constant 1 : i32
    scf.for %scan3A_8 = %scan3A_3 to %scan3A_5 step %scan3A_6  : i32 {
      %mul3A_9 = arith.constant 16 : i32
      %mul3A_10 = arith.muli %scan3A_8, %mul3A_9 : i32
      %get3A = arith.constant 0 : i32
      %get3A_11 = arith.index_cast %get3A : i32 to index
      %get3A_12 = arith.index_cast %mul3A_10 : i32 to index
      %get3A_13 = tpu.vector_load %arg5[%get3A_11, %get3A_12] {strides = array<i32>} : memref<8x512xf32, #tpu.memory_space<vmem>>, vector<1x16xf32>,
      %get3A_14 = vector.shape_cast %get3A_13 : vector<1x16xf32> to vector<16xf32>
      %get3A_15 = arith.constant 1 : i32
      %get3A_16 = arith.index_cast %get3A_15 : i32 to index
      %get3A_17 = arith.index_cast %mul3A_10 : i32 to index
      %get3A_18 = tpu.vector_load %arg5[%get3A_16, %get3A_17] {strides = array<i32>} : memref<8x512xf32, #tpu.memory_space<vmem>>, vector<1x16xf32>,
      %get3A_19 = vector.shape_cast %get3A_18 : vector<1x16xf32> to vector<16xf32>
      %get3A_20 = arith.constant 2 : i32
      %get3A_21 = arith.index_cast %get3A_20 : i32 to index
      %get3A_22 = arith.index_cast %mul3A_10 : i32 to index
      %get3A_23 = tpu.vector_load %arg5[%get3A_21, %get3A_22] {strides = array<i32>} : memref<8x512xf32, #tpu.memory_space<vmem>>, vector<1x16xf32>,
      %get3A_24 = vector.shape_cast %get3A_23 : vector<1x16xf32> to vector<16xf32>
      %get3A_25 = arith.constant 3 : i32
      %get3A_26 = arith.index_cast %get3A_25 : i32 to index
      %get3A_27 = arith.index_cast %mul3A_10 : i32 to index
      %get3A_28 = tpu.vector_load %arg5[%get3A_26, %get3A_27] {strides = array<i32>} : memref<8x512xf32, #tpu.memory_space<vmem>>, vector<1x16xf32>,
      %get3A_29 = vector.shape_cast %get3A_28 : vector<1x16xf32> to vector<16xf32>
      %get3A_30 = arith.constant 4 : i32
      %get3A_31 = arith.index_cast %get3A_30 : i32 to index
      %get3A_32 = arith.index_cast %mul3A_10 : i32 to index
      %get3A_33 = tpu.vector_load %arg5[%get3A_31, %get3A_32] {strides = array<i32>} : memref<8x512xf32, #tpu.memory_space<vmem>>, vector<1x16xf32>,
      %get3A_34 = vector.shape_cast %get3A_33 : vector<1x16xf32> to vector<16xf32>
      %get3A_35 = arith.constant 5 : i32
      %get3A_36 = arith.index_cast %get3A_35 : i32 to index
      %get3A_37 = arith.index_cast %mul3A_10 : i32 to index
      %get3A_38 = tpu.vector_load %arg5[%get3A_36, %get3A_37] {strides = array<i32>} : memref<8x512xf32, #tpu.memory_space<vmem>>, vector<1x16xf32>,
      %get3A_39 = vector.shape_cast %get3A_38 : vector<1x16xf32> to vector<16xf32>
      %get3A_40 = arith.constant 6 : i32
      %get3A_41 = arith.index_cast %get3A_40 : i32 to index
      %get3A_42 = arith.index_cast %mul3A_10 : i32 to index
      %get3A_43 = tpu.vector_load %arg5[%get3A_41, %get3A_42] {strides = array<i32>} : memref<8x512xf32, #tpu.memory_space<vmem>>, vector<1x16xf32>,
      %get3A_44 = vector.shape_cast %get3A_43 : vector<1x16xf32> to vector<16xf32>
      %get3A_45 = arith.constant 7 : i32
      %get3A_46 = arith.index_cast %get3A_45 : i32 to index
      %get3A_47 = arith.index_cast %mul3A_10 : i32 to index
      %get3A_48 = tpu.vector_load %arg5[%get3A_46, %get3A_47] {strides = array<i32>} : memref<8x512xf32, #tpu.memory_space<vmem>>, vector<1x16xf32>,
      %get3A_49 = vector.shape_cast %get3A_48 : vector<1x16xf32> to vector<16xf32>
      %broadcast_in_dim3A = arith.constant 0 : i32
      %broadcast_in_dim3A_50 = vector.broadcast %broadcast_in_dim3A : i32 to vector<16xi32>
      %gt3A = arith.cmpf ogt, %get3A_19, %get3A_14 : vector<16xf32>
      %select_n3A = arith.select %gt3A, %get3A_19, %get3A_14 : vector<16xi1>, vector<16xf32>
      %jit3A = arith.constant 1 : i32
      %broadcast_in_dim3A_51 = vector.broadcast %jit3A : i32 to vector<16xi32>
      %select_n3A_52 = arith.select %gt3A, %broadcast_in_dim3A_51, %broadcast_in_dim3A_50 : vector<16xi1>, vector<16xi32>
      %gt3A_53 = arith.cmpf ogt, %get3A_24, %select_n3A : vector<16xf32>
      %select_n3A_54 = arith.select %gt3A_53, %get3A_24, %select_n3A : vector<16xi1>, vector<16xf32>
      %jit3A_55 = arith.constant 2 : i32
      %broadcast_in_dim3A_56 = vector.broadcast %jit3A_55 : i32 to vector<16xi32>
      %select_n3A_57 = arith.select %gt3A_53, %broadcast_in_dim3A_56, %select_n3A_52 : vector<16xi1>, vector<16xi32>
      %gt3A_58 = arith.cmpf ogt, %get3A_29, %select_n3A_54 : vector<16xf32>
      %select_n3A_59 = arith.select %gt3A_58, %get3A_29, %select_n3A_54 : vector<16xi1>, vector<16xf32>
      %jit3A_60 = arith.constant 3 : i32
      %broadcast_in_dim3A_61 = vector.broadcast %jit3A_60 : i32 to vector<16xi32>
      %select_n3A_62 = arith.select %gt3A_58, %broadcast_in_dim3A_61, %select_n3A_57 : vector<16xi1>, vector<16xi32>
      %gt3A_63 = arith.cmpf ogt, %get3A_34, %select_n3A_59 : vector<16xf32>
      %select_n3A_64 = arith.select %gt3A_63, %get3A_34, %select_n3A_59 : vector<16xi1>, vector<16xf32>
      %jit3A_65 = arith.constant 4 : i32
      %broadcast_in_dim3A_66 = vector.broadcast %jit3A_65 : i32 to vector<16xi32>
      %select_n3A_67 = arith.select %gt3A_63, %broadcast_in_dim3A_66, %select_n3A_62 : vector<16xi1>, vector<16xi32>
      %gt3A_68 = arith.cmpf ogt, %get3A_39, %select_n3A_64 : vector<16xf32>
      %select_n3A_69 = arith.select %gt3A_68, %get3A_39, %select_n3A_64 : vector<16xi1>, vector<16xf32>
      %jit3A_70 = arith.constant 5 : i32
      %broadcast_in_dim3A_71 = vector.broadcast %jit3A_70 : i32 to vector<16xi32>
      %select_n3A_72 = arith.select %gt3A_68, %broadcast_in_dim3A_71, %select_n3A_67 : vector<16xi1>, vector<16xi32>
      %gt3A_73 = arith.cmpf ogt, %get3A_44, %select_n3A_69 : vector<16xf32>
      %select_n3A_74 = arith.select %gt3A_73, %get3A_44, %select_n3A_69 : vector<16xi1>, vector<16xf32>
      %jit3A_75 = arith.constant 6 : i32
      %broadcast_in_dim3A_76 = vector.broadcast %jit3A_75 : i32 to vector<16xi32>
      %select_n3A_77 = arith.select %gt3A_73, %broadcast_in_dim3A_76, %select_n3A_72 : vector<16xi1>, vector<16xi32>
      %gt3A_78 = arith.cmpf ogt, %get3A_49, %select_n3A_74 : vector<16xf32>
      %select_n3A_79 = arith.select %gt3A_78, %get3A_49, %select_n3A_74 : vector<16xi1>, vector<16xf32>
      %jit3A_80 = arith.constant 7 : i32
      %broadcast_in_dim3A_81 = vector.broadcast %jit3A_80 : i32 to vector<16xi32>
      %select_n3A_82 = arith.select %gt3A_78, %broadcast_in_dim3A_81, %select_n3A_77 : vector<16xi1>, vector<16xi32>
      %broadcast_in_dim3A_83 = arith.constant -1.000000e+00 : f32
      %broadcast_in_dim3A_84 = vector.broadcast %broadcast_in_dim3A_83 : f32 to vector<16xf32>
      %broadcast_in_dim3A_85 = arith.constant 0 : i32
      %broadcast_in_dim3A_86 = vector.broadcast %broadcast_in_dim3A_85 : i32 to vector<16xi32>
      %gt3A_87 = arith.cmpf ogt, %get3A_14, %broadcast_in_dim3A_84 : vector<16xf32>
      %ne3A = arith.constant 0 : i32
      %ne3A_88 = vector.broadcast %ne3A : i32 to vector<16xi32>
      %ne3A_89 = arith.cmpi ne, %select_n3A_82, %ne3A_88 : vector<16xi32>
      %and3A = arith.andi %gt3A_87, %ne3A_89 : vector<16xi1>
      %select_n3A_90 = arith.select %and3A, %get3A_14, %broadcast_in_dim3A_84 : vector<16xi1>, vector<16xf32>
      %jit3A_91 = arith.constant 0 : i32
      %broadcast_in_dim3A_92 = vector.broadcast %jit3A_91 : i32 to vector<16xi32>
      %select_n3A_93 = arith.select %and3A, %broadcast_in_dim3A_92, %broadcast_in_dim3A_86 : vector<16xi1>, vector<16xi32>
      %gt3A_94 = arith.cmpf ogt, %get3A_19, %select_n3A_90 : vector<16xf32>
      %ne3A_95 = arith.constant 1 : i32
      %ne3A_96 = vector.broadcast %ne3A_95 : i32 to vector<16xi32>
      %ne3A_97 = arith.cmpi ne, %select_n3A_82, %ne3A_96 : vector<16xi32>
      %and3A_98 = arith.andi %gt3A_94, %ne3A_97 : vector<16xi1>
      %select_n3A_99 = arith.select %and3A_98, %get3A_19, %select_n3A_90 : vector<16xi1>, vector<16xf32>
      %jit3A_100 = arith.constant 1 : i32
      %broadcast_in_dim3A_101 = vector.broadcast %jit3A_100 : i32 to vector<16xi32>
      %select_n3A_102 = arith.select %and3A_98, %broadcast_in_dim3A_101, %select_n3A_93 : vector<16xi1>, vector<16xi32>
      %gt3A_103 = arith.cmpf ogt, %get3A_24, %select_n3A_99 : vector<16xf32>
      %ne3A_104 = arith.constant 2 : i32
      %ne3A_105 = vector.broadcast %ne3A_104 : i32 to vector<16xi32>
      %ne3A_106 = arith.cmpi ne, %select_n3A_82, %ne3A_105 : vector<16xi32>
      %and3A_107 = arith.andi %gt3A_103, %ne3A_106 : vector<16xi1>
      %select_n3A_108 = arith.select %and3A_107, %get3A_24, %select_n3A_99 : vector<16xi1>, vector<16xf32>
      %jit3A_109 = arith.constant 2 : i32
      %broadcast_in_dim3A_110 = vector.broadcast %jit3A_109 : i32 to vector<16xi32>
      %select_n3A_111 = arith.select %and3A_107, %broadcast_in_dim3A_110, %select_n3A_102 : vector<16xi1>, vector<16xi32>
      %gt3A_112 = arith.cmpf ogt, %get3A_29, %select_n3A_108 : vector<16xf32>
      %ne3A_113 = arith.constant 3 : i32
      %ne3A_114 = vector.broadcast %ne3A_113 : i32 to vector<16xi32>
      %ne3A_115 = arith.cmpi ne, %select_n3A_82, %ne3A_114 : vector<16xi32>
      %and3A_116 = arith.andi %gt3A_112, %ne3A_115 : vector<16xi1>
      %select_n3A_117 = arith.select %and3A_116, %get3A_29, %select_n3A_108 : vector<16xi1>, vector<16xf32>
      %jit3A_118 = arith.constant 3 : i32
      %broadcast_in_dim3A_119 = vector.broadcast %jit3A_118 : i32 to vector<16xi32>
      %select_n3A_120 = arith.select %and3A_116, %broadcast_in_dim3A_119, %select_n3A_111 : vector<16xi1>, vector<16xi32>
      %gt3A_121 = arith.cmpf ogt, %get3A_34, %select_n3A_117 : vector<16xf32>
      %ne3A_122 = arith.constant 4 : i32
      %ne3A_123 = vector.broadcast %ne3A_122 : i32 to vector<16xi32>
      %ne3A_124 = arith.cmpi ne, %select_n3A_82, %ne3A_123 : vector<16xi32>
      %and3A_125 = arith.andi %gt3A_121, %ne3A_124 : vector<16xi1>
      %select_n3A_126 = arith.select %and3A_125, %get3A_34, %select_n3A_117 : vector<16xi1>, vector<16xf32>
      %jit3A_127 = arith.constant 4 : i32
      %broadcast_in_dim3A_128 = vector.broadcast %jit3A_127 : i32 to vector<16xi32>
      %select_n3A_129 = arith.select %and3A_125, %broadcast_in_dim3A_128, %select_n3A_120 : vector<16xi1>, vector<16xi32>
      %gt3A_130 = arith.cmpf ogt, %get3A_39, %select_n3A_126 : vector<16xf32>
      %ne3A_131 = arith.constant 5 : i32
      %ne3A_132 = vector.broadcast %ne3A_131 : i32 to vector<16xi32>
      %ne3A_133 = arith.cmpi ne, %select_n3A_82, %ne3A_132 : vector<16xi32>
      %and3A_134 = arith.andi %gt3A_130, %ne3A_133 : vector<16xi1>
      %select_n3A_135 = arith.select %and3A_134, %get3A_39, %select_n3A_126 : vector<16xi1>, vector<16xf32>
      %jit3A_136 = arith.constant 5 : i32
      %broadcast_in_dim3A_137 = vector.broadcast %jit3A_136 : i32 to vector<16xi32>
      %select_n3A_138 = arith.select %and3A_134, %broadcast_in_dim3A_137, %select_n3A_129 : vector<16xi1>, vector<16xi32>
      %gt3A_139 = arith.cmpf ogt, %get3A_44, %select_n3A_135 : vector<16xf32>
      %ne3A_140 = arith.constant 6 : i32
      %ne3A_141 = vector.broadcast %ne3A_140 : i32 to vector<16xi32>
      %ne3A_142 = arith.cmpi ne, %select_n3A_82, %ne3A_141 : vector<16xi32>
      %and3A_143 = arith.andi %gt3A_139, %ne3A_142 : vector<16xi1>
      %select_n3A_144 = arith.select %and3A_143, %get3A_44, %select_n3A_135 : vector<16xi1>, vector<16xf32>
      %jit3A_145 = arith.constant 6 : i32
      %broadcast_in_dim3A_146 = vector.broadcast %jit3A_145 : i32 to vector<16xi32>
      %select_n3A_147 = arith.select %and3A_143, %broadcast_in_dim3A_146, %select_n3A_138 : vector<16xi1>, vector<16xi32>
      %gt3A_148 = arith.cmpf ogt, %get3A_49, %select_n3A_144 : vector<16xf32>
      %ne3A_149 = arith.constant 7 : i32
      %ne3A_150 = vector.broadcast %ne3A_149 : i32 to vector<16xi32>
      %ne3A_151 = arith.cmpi ne, %select_n3A_82, %ne3A_150 : vector<16xi32>
      %and3A_152 = arith.andi %gt3A_148, %ne3A_151 : vector<16xi1>
      %select_n3A_153 = arith.select %and3A_152, %get3A_49, %select_n3A_144 : vector<16xi1>, vector<16xf32>
      %jit3A_154 = arith.constant 7 : i32
      %broadcast_in_dim3A_155 = vector.broadcast %jit3A_154 : i32 to vector<16xi32>
      %select_n3A_156 = arith.select %and3A_152, %broadcast_in_dim3A_155, %select_n3A_147 : vector<16xi1>, vector<16xi32>
      %add3A_157 = arith.addf %select_n3A_79, %select_n3A_153 : vector<16xf32>
      %div3A = arith.divf %select_n3A_79, %add3A_157 : vector<16xf32>
      %swap3A = arith.constant 0 : i32
      %swap3A_158 = arith.index_cast %swap3A : i32 to index
      %swap3A_159 = arith.index_cast %mul3A_10 : i32 to index
      %swap3A_160 = tpu.vector_load %arg6[%swap3A_158, %swap3A_159] {strides = array<i32>} : memref<2x512xf32, #tpu.memory_space<vmem>>, vector<1x16xf32>,
      %swap3A_161 = vector.shape_cast %swap3A_160 : vector<1x16xf32> to vector<16xf32>
      %swap3A_162 = vector.shape_cast %div3A : vector<16xf32> to vector<1x16xf32>
      tpu.vector_store %arg6[%swap3A_158, %swap3A_159], %swap3A_162 {strides = array<i32>} : memref<2x512xf32, #tpu.memory_space<vmem>>, vector<1x16xf32>,
      %div3A_163 = arith.divf %select_n3A_153, %add3A_157 : vector<16xf32>
      %swap3A_164 = arith.constant 1 : i32
      %swap3A_165 = arith.index_cast %swap3A_164 : i32 to index
      %swap3A_166 = arith.index_cast %mul3A_10 : i32 to index
      %swap3A_167 = tpu.vector_load %arg6[%swap3A_165, %swap3A_166] {strides = array<i32>} : memref<2x512xf32, #tpu.memory_space<vmem>>, vector<1x16xf32>,
      %swap3A_168 = vector.shape_cast %swap3A_167 : vector<1x16xf32> to vector<16xf32>
      %swap3A_169 = vector.shape_cast %div3A_163 : vector<16xf32> to vector<1x16xf32>
      tpu.vector_store %arg6[%swap3A_165, %swap3A_166], %swap3A_169 {strides = array<i32>} : memref<2x512xf32, #tpu.memory_space<vmem>>, vector<1x16xf32>,
      %swap3A_170 = arith.constant 0 : i32
      %swap3A_171 = arith.index_cast %swap3A_170 : i32 to index
      %swap3A_172 = arith.index_cast %mul3A_10 : i32 to index
      %swap3A_173 = tpu.vector_load %arg7[%swap3A_171, %swap3A_172] {strides = array<i32>} : memref<2x512xi32, #tpu.memory_space<vmem>>, vector<1x16xi32>,
      %swap3A_174 = vector.shape_cast %swap3A_173 : vector<1x16xi32> to vector<16xi32>
      %swap3A_175 = vector.shape_cast %select_n3A_82 : vector<16xi32> to vector<1x16xi32>
      tpu.vector_store %arg7[%swap3A_171, %swap3A_172], %swap3A_175 {strides = array<i32>} : memref<2x512xi32, #tpu.memory_space<vmem>>, vector<1x16xi32>,
      %swap3A_176 = arith.constant 1 : i32
      %swap3A_177 = arith.index_cast %swap3A_176 : i32 to index
      %swap3A_178 = arith.index_cast %mul3A_10 : i32 to index
      %swap3A_179 = tpu.vector_load %arg7[%swap3A_177, %swap3A_178] {strides = array<i32>} : memref<2x512xi32, #tpu.memory_space<vmem>>, vector<1x16xi32>,
      %swap3A_180 = vector.shape_cast %swap3A_179 : vector<1x16xi32> to vector<16xi32>
      %swap3A_181 = vector.shape_cast %select_n3A_156 : vector<16xi32> to vector<1x16xi32>
      tpu.vector_store %arg7[%swap3A_177, %swap3A_178], %swap3A_181 {strides = array<i32>} : memref<2x512xi32, #tpu.memory_space<vmem>>, vector<1x16xi32>,
    }
    %scan3A_7 = arith.constant 32 : i32
    "tpu.region"() ({
      %run_scoped3A = tpu.sem_alloc : memref<!tpu.dma_semaphore, #tpu.memory_space<semaphore_mem>>
      %dma_start3A = arith.constant 0 : i32
      %dma_start3A_8 = tpu.memref_slice %arg3[%dma_start3A, %mul3A_2] : memref<2x16384xf32, #tpu.memory_space<hbm>> -> memref<2x512xf32, #tpu.memory_space<hbm>>
      %dma_start3A_9 = arith.constant 0 : i32
      %dma_start3A_10 = tpu.memref_slice %arg3[%dma_start3A_9, %mul3A_2] : memref<2x16384xf32, #tpu.memory_space<hbm>> -> memref<2x512xf32, #tpu.memory_space<hbm>>
      tpu.enqueue_dma source(%arg6 : memref<2x512xf32, #tpu.memory_space<vmem>>) target(%dma_start3A_10 : memref<2x512xf32, #tpu.memory_space<hbm>>) target_semaphore(%run_scoped3A : memref<!tpu.dma_semaphore, #tpu.memory_space<semaphore_mem>>)
      %dma_wait3A = arith.constant 0 : i32
      %dma_wait3A_11 = tpu.memref_slice %arg3[%dma_wait3A, %mul3A_2] : memref<2x16384xf32, #tpu.memory_space<hbm>> -> memref<2x512xf32, #tpu.memory_space<hbm>>
      %dma_wait3A_12 = arith.constant 0 : i32
      %dma_wait3A_13 = tpu.memref_slice %arg3[%dma_wait3A_12, %mul3A_2] : memref<2x16384xf32, #tpu.memory_space<hbm>> -> memref<2x512xf32, #tpu.memory_space<hbm>>
      tpu.wait_dma2 semaphore(%run_scoped3A : memref<!tpu.dma_semaphore, #tpu.memory_space<semaphore_mem>>) src(%arg6 : memref<2x512xf32, #tpu.memory_space<vmem>>) dst(%dma_wait3A_13 : memref<2x512xf32, #tpu.memory_space<hbm>>)
      tpu.yield
    }) : () -> ()
    "tpu.region"() ({
      %run_scoped3A = tpu.sem_alloc : memref<!tpu.dma_semaphore, #tpu.memory_space<semaphore_mem>>
      %dma_start3A = arith.constant 0 : i32
      %dma_start3A_8 = tpu.memref_slice %arg4[%dma_start3A, %mul3A_2] : memref<2x16384xi32, #tpu.memory_space<hbm>> -> memref<2x512xi32, #tpu.memory_space<hbm>>
      %dma_start3A_9 = arith.constant 0 : i32
      %dma_start3A_10 = tpu.memref_slice %arg4[%dma_start3A_9, %mul3A_2] : memref<2x16384xi32, #tpu.memory_space<hbm>> -> memref<2x512xi32, #tpu.memory_space<hbm>>
      tpu.enqueue_dma source(%arg7 : memref<2x512xi32, #tpu.memory_space<vmem>>) target(%dma_start3A_10 : memref<2x512xi32, #tpu.memory_space<hbm>>) target_semaphore(%run_scoped3A : memref<!tpu.dma_semaphore, #tpu.memory_space<semaphore_mem>>)
      %dma_wait3A = arith.constant 0 : i32
      %dma_wait3A_11 = tpu.memref_slice %arg4[%dma_wait3A, %mul3A_2] : memref<2x16384xi32, #tpu.memory_space<hbm>> -> memref<2x512xi32, #tpu.memory_space<hbm>>
      %dma_wait3A_12 = arith.constant 0 : i32
      %dma_wait3A_13 = tpu.memref_slice %arg4[%dma_wait3A_12, %mul3A_2] : memref<2x16384xi32, #tpu.memory_space<hbm>> -> memref<2x512xi32, #tpu.memory_space<hbm>>
      tpu.wait_dma2 semaphore(%run_scoped3A : memref<!tpu.dma_semaphore, #tpu.memory_space<semaphore_mem>>) src(%arg7 : memref<2x512xi32, #tpu.memory_space<vmem>>) dst(%dma_wait3A_13 : memref<2x512xi32, #tpu.memory_space<hbm>>)
      tpu.yield
    }) : () -> ()
    return
  }
}

#map = affine_map<(d0, d1) -> (0, 0)>
module attributes {stable_mosaic.version = 14 : i64} {
  func.func @_sc_top2(%arg0: i32, %arg1: i32, %arg2: memref<8x16384xf32, #tpu.memory_space<hbm>>, %arg3: memref<2x16384xf32, #tpu.memory_space<hbm>>, %arg4: memref<2x16384xi32, #tpu.memory_space<hbm>>, %arg5: memref<8x512xf32, #tpu.memory_space<vmem>>, %arg6: memref<2x512xf32, #tpu.memory_space<vmem>>, %arg7: memref<2x512xi32, #tpu.memory_space<vmem>>) attributes {dimension_semantics = [#tpu.dimension_semantics<core_parallel>, #tpu.dimension_semantics<subcore_parallel>], iteration_bounds = array<i64: 2, 16>, scalar_prefetch = 0 : i64, scratch_operands = 3 : i64, tpu.core_type = #tpu.core_type<sc_vector_subcore>, window_params = [{transform_indices = #map}, {transform_indices = #map}, {transform_indices = #map}]} {
    %mul3A = arith.constant 2 : i32
    %mul3A_0 = arith.muli %arg1, %mul3A : i32
    %add3A = arith.addi %mul3A_0, %arg0 : i32
    %mul3A_1 = arith.constant 512 : i32
    %mul3A_2 = arith.muli %add3A, %mul3A_1 : i32
    "tpu.region"() ({
      %run_scoped3A = tpu.sem_alloc : memref<!tpu.dma_semaphore, #tpu.memory_space<semaphore_mem>>
      %dma_start3A = arith.constant 0 : i32
      %dma_start3A_8 = tpu.memref_slice %arg2[%dma_start3A, %mul3A_2] : memref<8x16384xf32, #tpu.memory_space<hbm>> -> memref<8x512xf32, #tpu.memory_space<hbm>>
      %dma_start3A_9 = arith.constant 0 : i32
      %dma_start3A_10 = tpu.memref_slice %arg2[%dma_start3A_9, %mul3A_2] : memref<8x16384xf32, #tpu.memory_space<hbm>> -> memref<8x512xf32, #tpu.memory_space<hbm>>
      tpu.enqueue_dma source(%dma_start3A_10 : memref<8x512xf32, #tpu.memory_space<hbm>>) target(%arg5 : memref<8x512xf32, #tpu.memory_space<vmem>>) target_semaphore(%run_scoped3A : memref<!tpu.dma_semaphore, #tpu.memory_space<semaphore_mem>>)
      %dma_wait3A = arith.constant 0 : i32
      %dma_wait3A_11 = tpu.memref_slice %arg2[%dma_wait3A, %mul3A_2] : memref<8x16384xf32, #tpu.memory_space<hbm>> -> memref<8x512xf32, #tpu.memory_space<hbm>>
      %dma_wait3A_12 = arith.constant 0 : i32
      %dma_wait3A_13 = tpu.memref_slice %arg2[%dma_wait3A_12, %mul3A_2] : memref<8x16384xf32, #tpu.memory_space<hbm>> -> memref<8x512xf32, #tpu.memory_space<hbm>>
      tpu.wait_dma2 semaphore(%run_scoped3A : memref<!tpu.dma_semaphore, #tpu.memory_space<semaphore_mem>>) src(%dma_wait3A_13 : memref<8x512xf32, #tpu.memory_space<hbm>>) dst(%arg5 : memref<8x512xf32, #tpu.memory_space<vmem>>)
      tpu.yield
    }) : () -> ()
    %scan3A = arith.constant 0 : i32
    %scan3A_3 = arith.constant 0 : i32
    %scan3A_4 = arith.constant 32 : i32
    %scan3A_5 = arith.addi %scan3A_3, %scan3A_4 : i32
    %scan3A_6 = arith.constant 1 : i32
    scf.for %scan3A_8 = %scan3A_3 to %scan3A_5 step %scan3A_6  : i32 {
      %mul3A_9 = arith.constant 16 : i32
      %mul3A_10 = arith.muli %scan3A_8, %mul3A_9 : i32
      %get3A = arith.constant 0 : i32
      %get3A_11 = arith.index_cast %get3A : i32 to index
      %get3A_12 = arith.index_cast %mul3A_10 : i32 to index
      %get3A_13 = tpu.vector_load %arg5[%get3A_11, %get3A_12] {strides = array<i32>} : memref<8x512xf32, #tpu.memory_space<vmem>>, vector<1x16xf32>,
      %get3A_14 = vector.shape_cast %get3A_13 : vector<1x16xf32> to vector<16xf32>
      %get3A_15 = arith.constant 1 : i32
      %get3A_16 = arith.index_cast %get3A_15 : i32 to index
      %get3A_17 = arith.index_cast %mul3A_10 : i32 to index
      %get3A_18 = tpu.vector_load %arg5[%get3A_16, %get3A_17] {strides = array<i32>} : memref<8x512xf32, #tpu.memory_space<vmem>>, vector<1x16xf32>,
      %get3A_19 = vector.shape_cast %get3A_18 : vector<1x16xf32> to vector<16xf32>
      %get3A_20 = arith.constant 2 : i32
      %get3A_21 = arith.index_cast %get3A_20 : i32 to index
      %get3A_22 = arith.index_cast %mul3A_10 : i32 to index
      %get3A_23 = tpu.vector_load %arg5[%get3A_21, %get3A_22] {strides = array<i32>} : memref<8x512xf32, #tpu.memory_space<vmem>>, vector<1x16xf32>,
      %get3A_24 = vector.shape_cast %get3A_23 : vector<1x16xf32> to vector<16xf32>
      %get3A_25 = arith.constant 3 : i32
      %get3A_26 = arith.index_cast %get3A_25 : i32 to index
      %get3A_27 = arith.index_cast %mul3A_10 : i32 to index
      %get3A_28 = tpu.vector_load %arg5[%get3A_26, %get3A_27] {strides = array<i32>} : memref<8x512xf32, #tpu.memory_space<vmem>>, vector<1x16xf32>,
      %get3A_29 = vector.shape_cast %get3A_28 : vector<1x16xf32> to vector<16xf32>
      %get3A_30 = arith.constant 4 : i32
      %get3A_31 = arith.index_cast %get3A_30 : i32 to index
      %get3A_32 = arith.index_cast %mul3A_10 : i32 to index
      %get3A_33 = tpu.vector_load %arg5[%get3A_31, %get3A_32] {strides = array<i32>} : memref<8x512xf32, #tpu.memory_space<vmem>>, vector<1x16xf32>,
      %get3A_34 = vector.shape_cast %get3A_33 : vector<1x16xf32> to vector<16xf32>
      %get3A_35 = arith.constant 5 : i32
      %get3A_36 = arith.index_cast %get3A_35 : i32 to index
      %get3A_37 = arith.index_cast %mul3A_10 : i32 to index
      %get3A_38 = tpu.vector_load %arg5[%get3A_36, %get3A_37] {strides = array<i32>} : memref<8x512xf32, #tpu.memory_space<vmem>>, vector<1x16xf32>,
      %get3A_39 = vector.shape_cast %get3A_38 : vector<1x16xf32> to vector<16xf32>
      %get3A_40 = arith.constant 6 : i32
      %get3A_41 = arith.index_cast %get3A_40 : i32 to index
      %get3A_42 = arith.index_cast %mul3A_10 : i32 to index
      %get3A_43 = tpu.vector_load %arg5[%get3A_41, %get3A_42] {strides = array<i32>} : memref<8x512xf32, #tpu.memory_space<vmem>>, vector<1x16xf32>,
      %get3A_44 = vector.shape_cast %get3A_43 : vector<1x16xf32> to vector<16xf32>
      %get3A_45 = arith.constant 7 : i32
      %get3A_46 = arith.index_cast %get3A_45 : i32 to index
      %get3A_47 = arith.index_cast %mul3A_10 : i32 to index
      %get3A_48 = tpu.vector_load %arg5[%get3A_46, %get3A_47] {strides = array<i32>} : memref<8x512xf32, #tpu.memory_space<vmem>>, vector<1x16xf32>,
      %get3A_49 = vector.shape_cast %get3A_48 : vector<1x16xf32> to vector<16xf32>
      %broadcast_in_dim3A = arith.constant 0 : i32
      %broadcast_in_dim3A_50 = vector.broadcast %broadcast_in_dim3A : i32 to vector<16xi32>
      %gt3A = arith.cmpf ogt, %get3A_19, %get3A_14 : vector<16xf32>
      %select_n3A = arith.select %gt3A, %get3A_19, %get3A_14 : vector<16xi1>, vector<16xf32>
      %jit3A = arith.constant 1 : i32
      %broadcast_in_dim3A_51 = vector.broadcast %jit3A : i32 to vector<16xi32>
      %select_n3A_52 = arith.select %gt3A, %broadcast_in_dim3A_51, %broadcast_in_dim3A_50 : vector<16xi1>, vector<16xi32>
      %gt3A_53 = arith.cmpf ogt, %get3A_24, %select_n3A : vector<16xf32>
      %select_n3A_54 = arith.select %gt3A_53, %get3A_24, %select_n3A : vector<16xi1>, vector<16xf32>
      %jit3A_55 = arith.constant 2 : i32
      %broadcast_in_dim3A_56 = vector.broadcast %jit3A_55 : i32 to vector<16xi32>
      %select_n3A_57 = arith.select %gt3A_53, %broadcast_in_dim3A_56, %select_n3A_52 : vector<16xi1>, vector<16xi32>
      %gt3A_58 = arith.cmpf ogt, %get3A_29, %select_n3A_54 : vector<16xf32>
      %select_n3A_59 = arith.select %gt3A_58, %get3A_29, %select_n3A_54 : vector<16xi1>, vector<16xf32>
      %jit3A_60 = arith.constant 3 : i32
      %broadcast_in_dim3A_61 = vector.broadcast %jit3A_60 : i32 to vector<16xi32>
      %select_n3A_62 = arith.select %gt3A_58, %broadcast_in_dim3A_61, %select_n3A_57 : vector<16xi1>, vector<16xi32>
      %gt3A_63 = arith.cmpf ogt, %get3A_34, %select_n3A_59 : vector<16xf32>
      %select_n3A_64 = arith.select %gt3A_63, %get3A_34, %select_n3A_59 : vector<16xi1>, vector<16xf32>
      %jit3A_65 = arith.constant 4 : i32
      %broadcast_in_dim3A_66 = vector.broadcast %jit3A_65 : i32 to vector<16xi32>
      %select_n3A_67 = arith.select %gt3A_63, %broadcast_in_dim3A_66, %select_n3A_62 : vector<16xi1>, vector<16xi32>
      %gt3A_68 = arith.cmpf ogt, %get3A_39, %select_n3A_64 : vector<16xf32>
      %select_n3A_69 = arith.select %gt3A_68, %get3A_39, %select_n3A_64 : vector<16xi1>, vector<16xf32>
      %jit3A_70 = arith.constant 5 : i32
      %broadcast_in_dim3A_71 = vector.broadcast %jit3A_70 : i32 to vector<16xi32>
      %select_n3A_72 = arith.select %gt3A_68, %broadcast_in_dim3A_71, %select_n3A_67 : vector<16xi1>, vector<16xi32>
      %gt3A_73 = arith.cmpf ogt, %get3A_44, %select_n3A_69 : vector<16xf32>
      %select_n3A_74 = arith.select %gt3A_73, %get3A_44, %select_n3A_69 : vector<16xi1>, vector<16xf32>
      %jit3A_75 = arith.constant 6 : i32
      %broadcast_in_dim3A_76 = vector.broadcast %jit3A_75 : i32 to vector<16xi32>
      %select_n3A_77 = arith.select %gt3A_73, %broadcast_in_dim3A_76, %select_n3A_72 : vector<16xi1>, vector<16xi32>
      %gt3A_78 = arith.cmpf ogt, %get3A_49, %select_n3A_74 : vector<16xf32>
      %select_n3A_79 = arith.select %gt3A_78, %get3A_49, %select_n3A_74 : vector<16xi1>, vector<16xf32>
      %jit3A_80 = arith.constant 7 : i32
      %broadcast_in_dim3A_81 = vector.broadcast %jit3A_80 : i32 to vector<16xi32>
      %select_n3A_82 = arith.select %gt3A_78, %broadcast_in_dim3A_81, %select_n3A_77 : vector<16xi1>, vector<16xi32>
      %broadcast_in_dim3A_83 = arith.constant -1.000000e+00 : f32
      %broadcast_in_dim3A_84 = vector.broadcast %broadcast_in_dim3A_83 : f32 to vector<16xf32>
      %broadcast_in_dim3A_85 = arith.constant 0 : i32
      %broadcast_in_dim3A_86 = vector.broadcast %broadcast_in_dim3A_85 : i32 to vector<16xi32>
      %gt3A_87 = arith.cmpf ogt, %get3A_14, %broadcast_in_dim3A_84 : vector<16xf32>
      %ne3A = arith.constant 0 : i32
      %ne3A_88 = vector.broadcast %ne3A : i32 to vector<16xi32>
      %ne3A_89 = arith.cmpi ne, %select_n3A_82, %ne3A_88 : vector<16xi32>
      %and3A = arith.andi %gt3A_87, %ne3A_89 : vector<16xi1>
      %select_n3A_90 = arith.select %and3A, %get3A_14, %broadcast_in_dim3A_84 : vector<16xi1>, vector<16xf32>
      %jit3A_91 = arith.constant 0 : i32
      %broadcast_in_dim3A_92 = vector.broadcast %jit3A_91 : i32 to vector<16xi32>
      %select_n3A_93 = arith.select %and3A, %broadcast_in_dim3A_92, %broadcast_in_dim3A_86 : vector<16xi1>, vector<16xi32>
      %gt3A_94 = arith.cmpf ogt, %get3A_19, %select_n3A_90 : vector<16xf32>
      %ne3A_95 = arith.constant 1 : i32
      %ne3A_96 = vector.broadcast %ne3A_95 : i32 to vector<16xi32>
      %ne3A_97 = arith.cmpi ne, %select_n3A_82, %ne3A_96 : vector<16xi32>
      %and3A_98 = arith.andi %gt3A_94, %ne3A_97 : vector<16xi1>
      %select_n3A_99 = arith.select %and3A_98, %get3A_19, %select_n3A_90 : vector<16xi1>, vector<16xf32>
      %jit3A_100 = arith.constant 1 : i32
      %broadcast_in_dim3A_101 = vector.broadcast %jit3A_100 : i32 to vector<16xi32>
      %select_n3A_102 = arith.select %and3A_98, %broadcast_in_dim3A_101, %select_n3A_93 : vector<16xi1>, vector<16xi32>
      %gt3A_103 = arith.cmpf ogt, %get3A_24, %select_n3A_99 : vector<16xf32>
      %ne3A_104 = arith.constant 2 : i32
      %ne3A_105 = vector.broadcast %ne3A_104 : i32 to vector<16xi32>
      %ne3A_106 = arith.cmpi ne, %select_n3A_82, %ne3A_105 : vector<16xi32>
      %and3A_107 = arith.andi %gt3A_103, %ne3A_106 : vector<16xi1>
      %select_n3A_108 = arith.select %and3A_107, %get3A_24, %select_n3A_99 : vector<16xi1>, vector<16xf32>
      %jit3A_109 = arith.constant 2 : i32
      %broadcast_in_dim3A_110 = vector.broadcast %jit3A_109 : i32 to vector<16xi32>
      %select_n3A_111 = arith.select %and3A_107, %broadcast_in_dim3A_110, %select_n3A_102 : vector<16xi1>, vector<16xi32>
      %gt3A_112 = arith.cmpf ogt, %get3A_29, %select_n3A_108 : vector<16xf32>
      %ne3A_113 = arith.constant 3 : i32
      %ne3A_114 = vector.broadcast %ne3A_113 : i32 to vector<16xi32>
      %ne3A_115 = arith.cmpi ne, %select_n3A_82, %ne3A_114 : vector<16xi32>
      %and3A_116 = arith.andi %gt3A_112, %ne3A_115 : vector<16xi1>
      %select_n3A_117 = arith.select %and3A_116, %get3A_29, %select_n3A_108 : vector<16xi1>, vector<16xf32>
      %jit3A_118 = arith.constant 3 : i32
      %broadcast_in_dim3A_119 = vector.broadcast %jit3A_118 : i32 to vector<16xi32>
      %select_n3A_120 = arith.select %and3A_116, %broadcast_in_dim3A_119, %select_n3A_111 : vector<16xi1>, vector<16xi32>
      %gt3A_121 = arith.cmpf ogt, %get3A_34, %select_n3A_117 : vector<16xf32>
      %ne3A_122 = arith.constant 4 : i32
      %ne3A_123 = vector.broadcast %ne3A_122 : i32 to vector<16xi32>
      %ne3A_124 = arith.cmpi ne, %select_n3A_82, %ne3A_123 : vector<16xi32>
      %and3A_125 = arith.andi %gt3A_121, %ne3A_124 : vector<16xi1>
      %select_n3A_126 = arith.select %and3A_125, %get3A_34, %select_n3A_117 : vector<16xi1>, vector<16xf32>
      %jit3A_127 = arith.constant 4 : i32
      %broadcast_in_dim3A_128 = vector.broadcast %jit3A_127 : i32 to vector<16xi32>
      %select_n3A_129 = arith.select %and3A_125, %broadcast_in_dim3A_128, %select_n3A_120 : vector<16xi1>, vector<16xi32>
      %gt3A_130 = arith.cmpf ogt, %get3A_39, %select_n3A_126 : vector<16xf32>
      %ne3A_131 = arith.constant 5 : i32
      %ne3A_132 = vector.broadcast %ne3A_131 : i32 to vector<16xi32>
      %ne3A_133 = arith.cmpi ne, %select_n3A_82, %ne3A_132 : vector<16xi32>
      %and3A_134 = arith.andi %gt3A_130, %ne3A_133 : vector<16xi1>
      %select_n3A_135 = arith.select %and3A_134, %get3A_39, %select_n3A_126 : vector<16xi1>, vector<16xf32>
      %jit3A_136 = arith.constant 5 : i32
      %broadcast_in_dim3A_137 = vector.broadcast %jit3A_136 : i32 to vector<16xi32>
      %select_n3A_138 = arith.select %and3A_134, %broadcast_in_dim3A_137, %select_n3A_129 : vector<16xi1>, vector<16xi32>
      %gt3A_139 = arith.cmpf ogt, %get3A_44, %select_n3A_135 : vector<16xf32>
      %ne3A_140 = arith.constant 6 : i32
      %ne3A_141 = vector.broadcast %ne3A_140 : i32 to vector<16xi32>
      %ne3A_142 = arith.cmpi ne, %select_n3A_82, %ne3A_141 : vector<16xi32>
      %and3A_143 = arith.andi %gt3A_139, %ne3A_142 : vector<16xi1>
      %select_n3A_144 = arith.select %and3A_143, %get3A_44, %select_n3A_135 : vector<16xi1>, vector<16xf32>
      %jit3A_145 = arith.constant 6 : i32
      %broadcast_in_dim3A_146 = vector.broadcast %jit3A_145 : i32 to vector<16xi32>
      %select_n3A_147 = arith.select %and3A_143, %broadcast_in_dim3A_146, %select_n3A_138 : vector<16xi1>, vector<16xi32>
      %gt3A_148 = arith.cmpf ogt, %get3A_49, %select_n3A_144 : vector<16xf32>
      %ne3A_149 = arith.constant 7 : i32
      %ne3A_150 = vector.broadcast %ne3A_149 : i32 to vector<16xi32>
      %ne3A_151 = arith.cmpi ne, %select_n3A_82, %ne3A_150 : vector<16xi32>
      %and3A_152 = arith.andi %gt3A_148, %ne3A_151 : vector<16xi1>
      %select_n3A_153 = arith.select %and3A_152, %get3A_49, %select_n3A_144 : vector<16xi1>, vector<16xf32>
      %jit3A_154 = arith.constant 7 : i32
      %broadcast_in_dim3A_155 = vector.broadcast %jit3A_154 : i32 to vector<16xi32>
      %select_n3A_156 = arith.select %and3A_152, %broadcast_in_dim3A_155, %select_n3A_147 : vector<16xi1>, vector<16xi32>
      %add3A_157 = arith.addf %select_n3A_79, %select_n3A_153 : vector<16xf32>
      %div3A = arith.divf %select_n3A_79, %add3A_157 : vector<16xf32>
      %swap3A = arith.constant 0 : i32
      %swap3A_158 = arith.index_cast %swap3A : i32 to index
      %swap3A_159 = arith.index_cast %mul3A_10 : i32 to index
      %swap3A_160 = tpu.vector_load %arg6[%swap3A_158, %swap3A_159] {strides = array<i32>} : memref<2x512xf32, #tpu.memory_space<vmem>>, vector<1x16xf32>,
      %swap3A_161 = vector.shape_cast %swap3A_160 : vector<1x16xf32> to vector<16xf32>
      %swap3A_162 = vector.shape_cast %div3A : vector<16xf32> to vector<1x16xf32>
      tpu.vector_store %arg6[%swap3A_158, %swap3A_159], %swap3A_162 {strides = array<i32>} : memref<2x512xf32, #tpu.memory_space<vmem>>, vector<1x16xf32>,
      %div3A_163 = arith.divf %select_n3A_153, %add3A_157 : vector<16xf32>
      %swap3A_164 = arith.constant 1 : i32
      %swap3A_165 = arith.index_cast %swap3A_164 : i32 to index
      %swap3A_166 = arith.index_cast %mul3A_10 : i32 to index
      %swap3A_167 = tpu.vector_load %arg6[%swap3A_165, %swap3A_166] {strides = array<i32>} : memref<2x512xf32, #tpu.memory_space<vmem>>, vector<1x16xf32>,
      %swap3A_168 = vector.shape_cast %swap3A_167 : vector<1x16xf32> to vector<16xf32>
      %swap3A_169 = vector.shape_cast %div3A_163 : vector<16xf32> to vector<1x16xf32>
      tpu.vector_store %arg6[%swap3A_165, %swap3A_166], %swap3A_169 {strides = array<i32>} : memref<2x512xf32, #tpu.memory_space<vmem>>, vector<1x16xf32>,
      %swap3A_170 = arith.constant 0 : i32
      %swap3A_171 = arith.index_cast %swap3A_170 : i32 to index
      %swap3A_172 = arith.index_cast %mul3A_10 : i32 to index
      %swap3A_173 = tpu.vector_load %arg7[%swap3A_171, %swap3A_172] {strides = array<i32>} : memref<2x512xi32, #tpu.memory_space<vmem>>, vector<1x16xi32>,
      %swap3A_174 = vector.shape_cast %swap3A_173 : vector<1x16xi32> to vector<16xi32>
      %swap3A_175 = vector.shape_cast %select_n3A_82 : vector<16xi32> to vector<1x16xi32>
      tpu.vector_store %arg7[%swap3A_171, %swap3A_172], %swap3A_175 {strides = array<i32>} : memref<2x512xi32, #tpu.memory_space<vmem>>, vector<1x16xi32>,
      %swap3A_176 = arith.constant 1 : i32
      %swap3A_177 = arith.index_cast %swap3A_176 : i32 to index
      %swap3A_178 = arith.index_cast %mul3A_10 : i32 to index
      %swap3A_179 = tpu.vector_load %arg7[%swap3A_177, %swap3A_178] {strides = array<i32>} : memref<2x512xi32, #tpu.memory_space<vmem>>, vector<1x16xi32>,
      %swap3A_180 = vector.shape_cast %swap3A_179 : vector<1x16xi32> to vector<16xi32>
      %swap3A_181 = vector.shape_cast %select_n3A_156 : vector<16xi32> to vector<1x16xi32>
      tpu.vector_store %arg7[%swap3A_177, %swap3A_178], %swap3A_181 {strides = array<i32>} : memref<2x512xi32, #tpu.memory_space<vmem>>, vector<1x16xi32>,
    }
    %scan3A_7 = arith.constant 32 : i32
    "tpu.region"() ({
      %run_scoped3A = tpu.sem_alloc : memref<!tpu.dma_semaphore, #tpu.memory_space<semaphore_mem>>
      %dma_start3A = arith.constant 0 : i32
      %dma_start3A_8 = tpu.memref_slice %arg3[%dma_start3A, %mul3A_2] : memref<2x16384xf32, #tpu.memory_space<hbm>> -> memref<2x512xf32, #tpu.memory_space<hbm>>
      %dma_start3A_9 = arith.constant 0 : i32
      %dma_start3A_10 = tpu.memref_slice %arg3[%dma_start3A_9, %mul3A_2] : memref<2x16384xf32, #tpu.memory_space<hbm>> -> memref<2x512xf32, #tpu.memory_space<hbm>>
      tpu.enqueue_dma source(%arg6 : memref<2x512xf32, #tpu.memory_space<vmem>>) target(%dma_start3A_10 : memref<2x512xf32, #tpu.memory_space<hbm>>) target_semaphore(%run_scoped3A : memref<!tpu.dma_semaphore, #tpu.memory_space<semaphore_mem>>)
      %dma_wait3A = arith.constant 0 : i32
      %dma_wait3A_11 = tpu.memref_slice %arg3[%dma_wait3A, %mul3A_2] : memref<2x16384xf32, #tpu.memory_space<hbm>> -> memref<2x512xf32, #tpu.memory_space<hbm>>
      %dma_wait3A_12 = arith.constant 0 : i32
      %dma_wait3A_13 = tpu.memref_slice %arg3[%dma_wait3A_12, %mul3A_2] : memref<2x16384xf32, #tpu.memory_space<hbm>> -> memref<2x512xf32, #tpu.memory_space<hbm>>
      tpu.wait_dma2 semaphore(%run_scoped3A : memref<!tpu.dma_semaphore, #tpu.memory_space<semaphore_mem>>) src(%arg6 : memref<2x512xf32, #tpu.memory_space<vmem>>) dst(%dma_wait3A_13 : memref<2x512xf32, #tpu.memory_space<hbm>>)
      tpu.yield
    }) : () -> ()
    "tpu.region"() ({
      %run_scoped3A = tpu.sem_alloc : memref<!tpu.dma_semaphore, #tpu.memory_space<semaphore_mem>>
      %dma_start3A = arith.constant 0 : i32
      %dma_start3A_8 = tpu.memref_slice %arg4[%dma_start3A, %mul3A_2] : memref<2x16384xi32, #tpu.memory_space<hbm>> -> memref<2x512xi32, #tpu.memory_space<hbm>>
      %dma_start3A_9 = arith.constant 0 : i32
      %dma_start3A_10 = tpu.memref_slice %arg4[%dma_start3A_9, %mul3A_2] : memref<2x16384xi32, #tpu.memory_space<hbm>> -> memref<2x512xi32, #tpu.memory_space<hbm>>
      tpu.enqueue_dma source(%arg7 : memref<2x512xi32, #tpu.memory_space<vmem>>) target(%dma_start3A_10 : memref<2x512xi32, #tpu.memory_space<hbm>>) target_semaphore(%run_scoped3A : memref<!tpu.dma_semaphore, #tpu.memory_space<semaphore_mem>>)
      %dma_wait3A = arith.constant 0 : i32
      %dma_wait3A_11 = tpu.memref_slice %arg4[%dma_wait3A, %mul3A_2] : memref<2x16384xi32, #tpu.memory_space<hbm>> -> memref<2x512xi32, #tpu.memory_space<hbm>>
      %dma_wait3A_12 = arith.constant 0 : i32
      %dma_wait3A_13 = tpu.memref_slice %arg4[%dma_wait3A_12, %mul3A_2] : memref<2x16384xi32, #tpu.memory_space<hbm>> -> memref<2x512xi32, #tpu.memory_space<hbm>>
      tpu.wait_dma2 semaphore(%run_scoped3A : memref<!tpu.dma_semaphore, #tpu.memory_space<semaphore_mem>>) src(%arg7 : memref<2x512xi32, #tpu.memory_space<vmem>>) dst(%dma_wait3A_13 : memref<2x512xi32, #tpu.memory_space<hbm>>)
      tpu.yield
    }) : () -> ()
    return
  }
}

module attributes {stable_mosaic.version = 14 : i64} {
  func.func @_router_block(%arg0: i32, %arg1: memref<4096x768xf32, #tpu.memory_space<vmem>>, %arg2: memref<8x768xf32, #tpu.memory_space<vmem>>, %arg3: memref<8x4096xf32, #tpu.memory_space<vmem>>) attributes {dimension_semantics = [#tpu.dimension_semantics<arbitrary>], iteration_bounds = array<i64: 4>, scalar_prefetch = 0 : i64, scratch_operands = 0 : i64, tpu.core_type = #tpu.core_type<tc>, window_params = [{transform_indices = @transform_0, window_bounds = array<i64: 4096, 768>}, {pipeline_mode = #tpu.pipeline_mode<synchronous>, transform_indices = @transform_1, window_bounds = array<i64: 8, 768>}, {transform_indices = @transform_2, window_bounds = array<i64: 8, 4096>}]} {
    %get3A = arith.constant 0 : index
    %get3A_0 = arith.constant 0 : index
    %get3A_1 = vector.load %arg1[%get3A, %get3A_0] : memref<4096x768xf32, #tpu.memory_space<vmem>>, vector<4096x768xf32>
    %get3A_2 = arith.constant 0 : index
    %get3A_3 = arith.constant 0 : index
    %get3A_4 = vector.load %arg2[%get3A_2, %get3A_3] : memref<8x768xf32, #tpu.memory_space<vmem>>, vector<8x768xf32>
    %dot_general3A = arith.constant dense<0.000000e+00> : vector<8x4096xf32>
    %dot_general3A_5 = tpu.matmul %get3A_4, %get3A_1, %dot_general3A {dimension_numbers = #tpu.dot_dimension_numbers<[1], [1], [0], [0], [0, 0, 1, 0], [], []>, transpose_lhs_hint = false} : vector<8x768xf32>, vector<4096x768xf32>, vector<8x4096xf32> -> vector<8x4096xf32>
    %reduce_max3A = arith.constant dense<0xFF800000> : vector<4096xf32>
    %reduce_max3A_6 = vector.multi_reduction <maximumf>, %dot_general3A_5, %reduce_max3A [0] : vector<8x4096xf32> to vector<4096xf32>
    %broadcast_in_dim3A = vector.shape_cast %reduce_max3A_6 : vector<4096xf32> to vector<1x4096xf32>
    %sub3A = vector.broadcast %broadcast_in_dim3A : vector<1x4096xf32> to vector<8x4096xf32>
    %sub3A_7 = arith.subf %dot_general3A_5, %sub3A : vector<8x4096xf32>
    %exp3A = math.exp %sub3A_7 : vector<8x4096xf32>
    %reduce_sum3A = arith.constant dense<0.000000e+00> : vector<4096xf32>
    %reduce_sum3A_8 = vector.multi_reduction <add>, %exp3A, %reduce_sum3A [0] : vector<8x4096xf32> to vector<4096xf32>
    %broadcast_in_dim3A_9 = vector.shape_cast %reduce_sum3A_8 : vector<4096xf32> to vector<1x4096xf32>
    %div3A = vector.broadcast %broadcast_in_dim3A_9 : vector<1x4096xf32> to vector<8x4096xf32>
    %div3A_10 = arith.divf %exp3A, %div3A : vector<8x4096xf32>
    %swap3A = arith.constant 0 : index
    %swap3A_11 = arith.constant 0 : index
    %swap3A_12 = vector.load %arg3[%swap3A, %swap3A_11] : memref<8x4096xf32, #tpu.memory_space<vmem>>, vector<8x4096xf32>
    tpu.vector_store %arg3[%swap3A, %swap3A_11], %div3A_10 {strides = array<i32>} : memref<8x4096xf32, #tpu.memory_space<vmem>>, vector<8x4096xf32>,
    return
  }
  func.func @transform_0(%arg0: i32) -> (i32, i32) {
    %c0_i32 = arith.constant 0 : i32
    %c0_i32_0 = arith.constant 0 : i32
    return %arg0, %c0_i32 : i32, i32
  }
  func.func @transform_1(%arg0: i32) -> (i32, i32) {
    %c0_i32 = arith.constant 0 : i32
    %c0_i32_0 = arith.constant 0 : i32
    %c0_i32_1 = arith.constant 0 : i32
    return %c0_i32, %c0_i32_0 : i32, i32
  }
  func.func @transform_2(%arg0: i32) -> (i32, i32) {
    %c0_i32 = arith.constant 0 : i32
    %c0_i32_0 = arith.constant 0 : i32
    return %c0_i32, %arg0 : i32, i32
  }
}

</mosaic_0001>

<sc_bundles>
// kernel: kernel.6.cloned.1.call-start
scs
__scs_entry_jumppad:
0x0: {  	(pc) =	sbr.rel $0x88, $3  }
0x1: {  	(tag) =	ssettag $0x0;
	lr =	simm.s32 $0x1  }
0x2: {  	[smem:$0x3F9F] =	sst lr;
	_ =	strace $0xD0000000  }
0x3: {  	_ = 	snop  }
0x4: {  	_ = 	snop  }
0x5: {  	_ = 	snop  }
0x6: {  	_ = 	snop  }
0x7: {  	_ = 	snop  }
__scs_overlays_trampoline_lowered:
0x8: {  	[smem:$0x3FAE] =	sst s0  }
0x9: {  	[smem:$0x3FAF] =	sst s1  }
0xa: {  	[smem:$0x3FB0] =	sst s2  }
0xb: {  	[smem:$0x3FB1] =	sst s3  }
0xc: {  	[smem:$0x3FB2] =	sst s4  }
0xd: {  	[smem:$0x3FB3] =	sst s5  }
0xe: {  	[smem:$0x3FB4] =	sst s6  }
0xf: {  	[smem:$0x3FB5] =	sst s7  }
0x10: {  	[smem:$0x3FB6] =	sst s8  }
0x11: {  	[smem:$0x3FB7] =	sst s9;
	s0 =	simm.s32 @!p0 $0x0  }
0x12: {  	s1 =	sld [smem:$0x3F9D];
	s0 =	simm.s32 @p0 $0x1  }
0x13: {  	[smem:$0x3FB8] =	sst s0;
	s0 =	simm.s32 @!p1 $0x0  }
0x14: {  	s2 =	sld [smem:$0x3F9C];
	s0 =	simm.s32 @p1 $0x1  }
0x15: {  	[smem:$0x3FB9] =	sst s0;
	s0 =	simm.s32 @!p2 $0x0  }
0x16: {  	s3 =	sld [smem:$0x3FDB];
	s0 =	simm.s32 @p2 $0x1  }
0x17: {  	s4 =	simm.s32 $0x1BF5;
	[smem:$0x3FBB] =	sst s0  }
0x18: {  	s0 =	sld [smem:$0x3F9E];
	_ =	swait.ge [sflag:s4], $0x0  }
0x19: {  	s7 =	sld [smem:$0x3F9F]  }
0x1a: {  	s8 =	sadd.s32 $0xFFFFE003, lr  }
0x1b: {  	s9 =	sadd.s32 $0xFFFFFEF7, lr;
	s5 =	simm.s32 $0xFFFFFFFF;
	p2 =	slt.u32 s8, $0xFFFFF086  }
0x1c: {  	p1 =	slt.u32 s9, $0xF7A;
	s5 =	simm.s32 @!p2 $0x0  }
0x1d: {  	s5 =	simm.s32 @p1 $0x1;
	p0 =	seq.s32 s7, s2  }
0x1e: {  	s7 =	smul.u32 @!p0 $0xF7A, s2;
	p2 =	seq.s32 @!p0 s5, $0x0  }
0x1f: {  	s9 =	smul.u32 $0xF7A, s1;
	s8 =	simm.s32 @!p0 $0x1BF5;
	p2 =	por !p2, p0  }
0x20: {  	[sflag:s8] =	ssyncset.s32 @!p0 $0xFFFFF086;
	s6 =	sadd.s32 @!p0 s3, s7;
	s7 =	simm.s32 @!p0 $0x108  }
0x21: {  	s3 =	sadd.s32 s3, s9;
	s6 =	sadd.s32 @!p0 $0x88, s6;
	s7 =	simm.s32 @p2 $0x1082  }
0x22: {  	[simem:s7], [sflag:s8] =	dma.local @!p0 [hbm:s6], $0xF7A  }
0x23: {  	s9 =	sor.u32 $0xD0000000, s2;
	s6 =	simm.s32 $0x108;
	_ =	swait.ge @!p0 [sflag:s8], $0x0  }
0x24: {  	s3 =	sadd.s32 $0x88, s3;
	s6 =	simm.s32 @!p1 $0x1082;
	[sflag:s4] =	ssyncset.s32 $0xFFFFF086  }
0x25: {  	[simem:s6], [sflag:s4] =	dma.local [hbm:s3], $0xF7A  }
0x26: {  	[smem:$0x3F9F] =	sst s1;
	(tag) =	ssettag s2;
	_ =	strace s9  }
0x27: {  	s1 =	sld [smem:$0x3FAF]  }
0x28: {  	s2 =	sld [smem:$0x3FB0]  }
0x29: {  	s4 =	sld [smem:$0x3FB2]  }
0x2a: {  	p0 =	seq.s32 s5, $0x0;
	s5 =	sld [smem:$0x3FB3]  }
0x2b: {  	s6 =	sld [smem:$0x3FB4]  }
0x2c: {  	s7 =	sld [smem:$0x3FB5]  }
0x2d: {  	s3 =	simm.s32 $0x108;
	s8 =	sld [smem:$0x3FB6]  }
0x2e: {  	s3 =	simm.s32 @!p0 $0x1082;
	s9 =	sld [smem:$0x3FB7]  }
0x2f: {  	lr =	sadd.s32 s0, s3;
	s0 =	sld [smem:$0x3FAE]  }
0x30: {  	s3 =	sld [smem:$0x3FB1]  }
0x31: {  	[smem:$0x3FBA] =	sst s10  }
0x32: {  	s10 =	sld [smem:$0x3FB8];
	_ =	sdelay $0x3  }
0x33: {  	p0 =	seq.s32 s10, $0x1;
	s10 =	sld [smem:$0x3FBA];
	_ =	sdelay $0x3  }
0x34: {  	[smem:$0x3FBA] =	sst s10  }
0x35: {  	s10 =	sld [smem:$0x3FB9];
	_ =	sdelay $0x3  }
0x36: {  	p1 =	seq.s32 s10, $0x1;
	s10 =	sld [smem:$0x3FBA];
	_ =	sdelay $0x3  }
0x37: {  	[smem:$0x3FBA] =	sst s10  }
0x38: {  	s10 =	sld [smem:$0x3FBB]  }
0x39: {  	_ = 	snop;
	(pc) =	sbr.ind lr, $3  }
0x3a: {  	_ = 	snop  }
0x3b: {  	_ = 	snop  }
0x3c: {  	p2 =	seq.s32 s10, $0x1;
	s10 =	sld [smem:$0x3FBA]  }
0x3d: {  	_ =	shalt  }
0x3e: {  	_ =	shalt  }
0x3f: {  	_ =	shalt  }
0x40: {  	_ =	shalt  }
0x41: {  	_ =	shalt  }
0x42: {  	_ =	shalt  }
0x43: {  	_ =	shalt  }
0x44: {  	_ =	shalt  }
0x45: {  	_ =	shalt  }
0x46: {  	_ =	shalt  }
0x47: {  	_ =	shalt  }
0x48: {  	_ =	shalt  }
0x49: {  	_ =	shalt  }
0x4a: {  	_ =	shalt  }
0x4b: {  	_ =	shalt  }
0x4c: {  	_ =	shalt  }
0x4d: {  	_ =	shalt  }
0x4e: {  	_ =	shalt  }
0x4f: {  	_ =	shalt  }
0x50: {  	_ =	shalt  }
0x51: {  	_ =	shalt  }
0x52: {  	_ =	shalt  }
0x53: {  	_ =	shalt  }
0x54: {  	_ =	shalt  }
0x55: {  	_ =	shalt  }
0x56: {  	_ =	shalt  }
0x57: {  	_ =	shalt  }
0x58: {  	_ =	shalt  }
0x59: {  	_ =	shalt  }
0x5a: {  	_ =	shalt  }
0x5b: {  	_ =	shalt  }
0x5c: {  	_ =	shalt  }
0x5d: {  	_ =	shalt  }
0x5e: {  	_ =	shalt  }
0x5f: {  	_ =	shalt  }
0x60: {  	_ =	shalt  }
0x61: {  	_ =	shalt  }
0x62: {  	_ =	shalt  }
0x63: {  	_ =	shalt  }
0x64: {  	_ =	shalt  }
0x65: {  	_ =	shalt  }
0x66: {  	_ =	shalt  }
0x67: {  	_ =	shalt  }
0x68: {  	_ =	shalt  }
0x69: {  	_ =	shalt  }
0x6a: {  	_ =	shalt  }
0x6b: {  	_ =	shalt  }
0x6c: {  	_ =	shalt  }
0x6d: {  	_ =	shalt  }
0x6e: {  	_ =	shalt  }
0x6f: {  	_ =	shalt  }
0x70: {  	_ =	shalt  }
0x71: {  	_ =	shalt  }
0x72: {  	_ =	shalt  }
0x73: {  	_ =	shalt  }
0x74: {  	_ =	shalt  }
0x75: {  	_ =	shalt  }
0x76: {  	_ =	shalt  }
0x77: {  	_ =	shalt  }
0x78: {  	_ =	shalt  }
0x79: {  	_ =	shalt  }
0x7a: {  	_ =	shalt  }
0x7b: {  	_ =	shalt  }
0x7c: {  	_ =	shalt  }
0x7d: {  	_ =	shalt  }
0x7e: {  	_ =	shalt  }
0x7f: {  	_ =	shalt  }
0x80: {  	_ =	shalt  }
0x81: {  	_ =	shalt  }
0x82: {  	_ =	shalt  }
0x83: {  	_ =	shalt  }
0x84: {  	_ =	shalt  }
0x85: {  	_ =	shalt  }
0x86: {  	_ =	shalt  }
0x87: {  	_ =	shalt  }
.Lfunc_end0:
.L_simem_size_0:
called_computation_lowered:
.L_overlay_start_0:
0x88: {  	s2 =	sld [smem:$0x3FD9]  }
0x89: {  	s3 =	sld [smem:$0x3FFE];
	_ =	sdelay $0x1  }
0x8a: {  	s1 =	srdreg.scid  }
0x8b: {  	s0 =	sand.u32 $0x1, s1  }
0x8c: {  	s15 =	sshll.u32 s0, $0xA;
	s2 =	sadd.s32 s3, s2  }
0x8d: {  	s2 =	sadd.s32 s2, s15  }
0x8e: {  	[smem:$0x3FC6] =	sst s2  }
0x8f: {  	_ = 	snop  }
0x90: {  	s2 =	sld [smem:$0x3FD0];
	_ =	sdelay $0x2  }
0x91: {  	s16 =	simm.s32 $0xB;
	s4 =	simm.s32 $0x10  }
0x92: {  	[smem:s4], [sflag:s16] =	dma.local [hbm:s2], $0x1  }
0x93: {  	_ =	swait.eq [sflag:s16], $0x1  }
0x94: {  	[sflag:s16] =	ssyncset.done $0x0  }
0x95: {  	[sflag:s16] =	ssyncadd.s32 $0xFFFFFFFF  }
0x96: {  	s17 =	sld [smem:$0x12];
	(tm) =	ssettm $0x1  }
0x97: {  	s18 =	sld [smem:$0x3FFB];
	_ =	sdelay $0x3  }
0x98: {  	_ =	strace s18  }
0x99: {  	s2 =	sld [smem:$0x3FFC];
	_ =	sdelay $0x3  }
0x9a: {  	_ =	strace s2  }
0x9b: {  	s2 =	sld [smem:$0x3FFD];
	_ =	sdelay $0x3  }
0x9c: {  	_ =	strace s2  }
0x9d: {  	_ =	strace $0x8FFFFFFF  }
0x9e: {  	s19 =	sld [smem:$0x3FDB];
	_ =	sdelay $0x1  }
0x9f: {  	s20 =	simm.s32 $_scs_section_size  }
0xa0: {  	s5 =	simm.s32 $_size__tile_overlayer_lowered;
	s6 =	simm.s32 $_tile_overlayer_lowered  }
0xa1: {  	s7 =	simm.s32 $0x1BFF;
	s21 =	sshll.u32 s6, $0x1;
	s4 =	sadd.s32 s20, s19  }
0xa2: {  	s22 =	simm.s32 $0x0;
	s5 =	sshll.u32 s5, $0x1;
	s6 =	sadd.s32 s21, s4  }
0xa3: {  	[timem:s22], [sflag:s7] =	dma.local [hbm:s6], s5  }
0xa4: {  	_ =	swait.ge [sflag:s7], s5  }
0xa5: {  	s5 =	ssub.s32 $0x0, s5;
	[sflag:s7] =	ssyncset.done $0x0  }
0xa6: {  	[sflag:s7] =	ssyncadd.s32 s5;
	_ =	sdelay $0x1  }
0xa7: {  	s23 =	simm.s32 $0x1B8B  }
0xa8: {  	_ =	swait.ge [sflag:s23], $0x1  }
0xa9: {  	[sflag:s23] =	ssyncset.done $0x0  }
0xaa: {  	[sflag:s23] =	ssyncadd.s32 $0xFFFFFFFF  }
0xab: {  	s5 =	sld [smem:$0x0]  }
0xac: {  	s6 =	sand.u32 $0xFFFFFFFE, s1  }
0xad: {  	p0 =	sne.s32 s1, s6  }
0xae: {  	s6 =	sshll.u32 @p0 s6, $0xE  }
0xaf: {  	s6 =	sadd.s32 @p0 $0x11B8D, s6;
	s7 =	sshll.u32 @p0 s5, $0x11  }
0xb0: {  	s6 =	sor.u32 @p0 s7, s6  }
0xb1: {  	[sflag:s6] =	ssyncadd.remote.s32 @p0 $0x1;
	_ =	sdelay $0x1  }
0xb2: {  	s6 =	simm.s32 @p0 $0x1B8D  }
0xb3: {  	_ =	swait.eq @p0 [sflag:s6], $0x1  }
0xb4: {  	[sflag:s6] =	ssyncadd.s32 @p0 $0xFFFFFFFF  }
0xb5: {  	s7 =	sshll.u32 @!p0 s1, $0xE  }
0xb6: {  	s7 =	sor.u32 @!p0 $0x4000, s7;
	s6 =	simm.s32 @!p0 $0x1B8D  }
0xb7: {  	s5 =	sshll.u32 @!p0 s5, $0x11;
	s7 =	sadd.s32 @!p0 $0x11B8D, s7;
	_ =	swait.eq @!p0 [sflag:s6], $0x1  }
0xb8: {  	s5 =	sor.u32 @!p0 s5, s7;
	[sflag:s6] =	ssyncadd.s32 @!p0 $0xFFFFFFFF  }
0xb9: {  	s25 =	simm.s32 $0x1B8E;
	s24 =	sld [smem:$0x3FFE];
	[sflag:s5] =	ssyncadd.remote.s32 @!p0 $0x1  }
0xba: {  	s26 =	simm.s32 $execute0_lowered;
	[smem:$0x3FD2] =	sst s25  }
0xbb: {  	s6 =	sshll.u32 s26, $0x1;
	_ =	strace $0x80000049;
	[dreg:$0x1] =	wrdreg $0xFFFFFFFF  }
0xbc: {  	s28 =	simm.s32 $_size_execute0_lowered;
	s4 =	sadd.s32 s4, s6;
	[dreg:$0x0] =	wrdreg $0x0  }
0xbd: {  	s6 =	sshll.u32 s28, $0x1;
	[dreg:$0x2] =	wrdreg s4  }
0xbe: {  	[dreg:$0x3] =	wrdreg s6  }
0xbf: {  	[dreg:$0x4] =	wrdreg $0xC0  }
0xc0: {  	_ =	task [dreg:s22], $0x5FFFF  }
0xc1: {  	[dreg:$0x1] =	wrdreg $0xFFFFFFFF  }
0xc2: {  	[dreg:$0x0] =	wrdreg $0x60  }
0xc3: {  	[dreg:$0x2] =	wrdreg s24  }
0xc4: {  	[dreg:$0x3] =	wrdreg s17  }
0xc5: {  	[dreg:$0x4] =	wrdreg $0x9  }
0xc6: {  	_ =	task.clear_ibuf [dreg:s22], $0x5FFFF;
	_ =	strace $0x90000049  }
0xc7: {  	s29 =	simm.s32 $0x9;
	_ =	strace $0x8000004B  }
0xc8: {  	_ =	swait.ge [sflag:s29], $0x1  }
0xc9: {  	[sflag:s29] =	ssyncadd.s32 $0xFFFFFFFF  }
0xca: {  	_ =	strace $0x9000004B  }
0xcb: {  	_ =	sfence  }
0xcc: {  	s30 =	sld [smem:$0x0];
	_ =	sdelay $0x2  }
0xcd: {  	s31 =	sshll.u32 s1, $0xD;
	s1 =	sshrl.u32 s1, $0x2  }
0xce: {  	s4 =	sand.u32 $0x4000, s31;
	s1 =	sadd.s32 s1, s30  }
0xcf: {  	s0 =	sor.u32 s4, s0;
	s1 =	sshll.u32 s1, $0x11  }
0xd0: {  	s0 =	sor.u32 s1, s0  }
0xd1: {  	s0 =	sadd.s32 $0x8F2B, s0  }
0xd2: {  	[sflag:s0] =	ssyncadd.remote.s32 $0x1  }
0xd3: {  	_ =	sfence.sel $0xFFFF  }
0xd4: {  	[dreg:$0x0] =	wrdreg $0xFFFFFFFF;
	(pc) =	sbr.abs _section_cstart, $3  }
0xd5: {  	[dreg:$0x1] =	wrdreg $0xFFFFFFFF  }
0xd6: {  	_ =	task.clear_ibuf [dreg:s22], $0x2FFFF;
	_ =	strace $0x9FFFFFFF  }
0xd7: {  	(tm) =	ssettm $0x7FFFFFFF  }
tec
execute0_lowered:
.L_overlay_start_1:
0x0: {  	(tag) =	ssettag $0x1  }
0x1: {  	s3 =	rddreg [dreg:$0x0]  }
0x2: {  	s4 =	rddreg [dreg:$0x1];
	s2 =	srdreg.scid  }
0x3: {  	s0 =	rddreg [dreg:$0x2];
	s1 =	stileid.u32  }
0x4: {  	s10 =	simm.s32 $0x0;
	s5 =	sand.u32 $0x1, s2;
	s2 =	simm.s32 $0x0  }
0x5: {  	s6 =	sshll.u32 s1, $0xA;
	s7 =	sshll.u32 s5, $0x9;
	[smem:$0x7FF] =	sst s2  }
0x6: {  	s5 =	ssub.s32 $0x2, s5;
	s6 =	sor.u32 s7, s6;
	_ =	strace $0x8000004A  }
0x7: {  	s31 =	sshrl.u32 s5, $0x1;
	s7 =	sshrl.u32 s6, $0x2;
	s6 =	sadd.s32 s6, s3  }
0x8: {  	s9 =	ssub.s32 s5, s31;
	s8 =	sadd.s32 s7, s3;
	s3 =	sadd.s32 $0x7800, s6  }
0x9: {  	s4 =	sadd.s32 s4, s7;
	s6 =	smax.u32 s9, $0x1;
	s7 =	simm.s32 $0x1  }
0xa: {  	v0 =	vimm.s32 $0x0;
	s9 =	simm.s32 $0x1400;
	s5 =	sadd.s32 $0xB800, s8;
	s8 =	simm.s32 $0x1000  }
.LBB2_1:
0xb: {  	[tilespmem:s2], [sflag:$0x1] =	stream.linear.gather [hbm4b:s3+s2], $0x1000, $0x38;
	[tilespmem:$0x1800] =	vst v63  }
0xc: {  	s12 =	simm.s32 $0x0;
	_ =	swait.ge [sflag:s7], $0x1000  }
0xd: {  	s11 =	sand.u32 $0x70, s2;
	s12 =	sand.u32 $0x3FFFFC00, s12;
	[sflag:s7] =	ssyncset.done $0x0  }
0xe: {  	s12 =	sor.u32 s11, s12;
	[sflag:s7] =	ssyncadd.s32 $0xFFFFF000  }
0xf: {  	v1 =	vld [tilespmem:s12+$0x0]  }
0x10: {  	v2 =	vld [tilespmem:s12+$0x80];
	_ =	sdelay $0x1  }
0x11: {  	v3 =	vld [tilespmem:s12+$0x100];
	_ =	sdelay $0x1  }
0x12: {  	v4 =	vld [tilespmem:s12+$0x180]  }
0x13: {  	vm0 =	vgt.f32 v2, v1  }
0x14: {  	v5 =	vld [tilespmem:s12+$0x200];
	v6 =	vsel vm0, v2, v1  }
0x15: {  	vm1 =	vgt.f32 v3, v6  }
0x16: {  	v7 =	vld [tilespmem:s12+$0x280];
	v6 =	vsel vm1, v3, v6  }
0x17: {  	vm2 =	vgt.f32 v4, v6  }
0x18: {  	v8 =	vld [tilespmem:s12+$0x300];
	v6 =	vsel vm2, v4, v6  }
0x19: {  	vm3 =	vgt.f32 v5, v6  }
0x1a: {  	v9 =	vld [tilespmem:s12+$0x380];
	v6 =	vsel vm3, v5, v6  }
0x1b: {  	v10 =	vsel vm0, $0x1, v0;
	vm14 =	vgt.f32 v7, v6  }
0x1c: {  	v10 =	vsel vm1, $0x2, v10;
	v6 =	vsel vm14, v7, v6  }
0x1d: {  	v10 =	vsel vm2, $0x3, v10;
	vm15 =	vgt.f32 v8, v6  }
0x1e: {  	v10 =	vsel vm3, $0x4, v10;
	v6 =	vsel vm15, v8, v6  }
0x1f: {  	v10 =	vsel vm14, $0x5, v10;
	vm4 =	vgt.f32 v9, v6  }
0x20: {  	v10 =	vsel vm15, $0x6, v10;
	vm0 =	vmneg vm4  }
0x21: {  	v10 =	vnsel vm0, $0x7, v10  }
0x22: {  	vm5 =	vgt.f32 v1, $-1.000000000e+00;
	vm6 =	vne.s32 v10, $0x0  }
0x23: {  	vm1 =	vmand vm5, vm6  }
0x24: {  	v1 =	vnsel vm1, $0xBF800000, v1  }
0x25: {  	vm7 =	vne.s32 v10, $0x1;
	vm8 =	vgt.f32 v2, v1  }
0x26: {  	vm1 =	vmand vm7, vm8  }
0x27: {  	v1 =	vsel vm1, v2, v1  }
0x28: {  	vm9 =	vne.s32 v10, $0x2;
	vm10 =	vgt.f32 v3, v1  }
0x29: {  	vm2 =	vmand vm9, vm10  }
0x2a: {  	v1 =	vsel vm2, v3, v1  }
0x2b: {  	vm11 =	vne.s32 v10, $0x3;
	vm4 =	vgt.f32 v4, v1  }
0x2c: {  	vm3 =	vmand vm11, vm4  }
0x2d: {  	v1 =	vsel vm3, v4, v1  }
0x2e: {  	vm12 =	vne.s32 v10, $0x4;
	vm5 =	vgt.f32 v5, v1  }
0x2f: {  	vm4 =	vmand vm12, vm5  }
0x30: {  	v1 =	vsel vm4, v5, v1  }
0x31: {  	vm13 =	vne.s32 v10, $0x5;
	vm6 =	vgt.f32 v7, v1  }
0x32: {  	vm5 =	vmand vm13, vm6  }
0x33: {  	v1 =	vsel vm5, v7, v1  }
0x34: {  	vm14 =	vne.s32 v10, $0x6;
	vm7 =	vgt.f32 v8, v1  }
0x35: {  	vm6 =	vmand vm14, vm7  }
0x36: {  	v1 =	vsel vm6, v8, v1  }
0x37: {  	vm15 =	vgt.f32 v9, v1  }
0x38: {  	vm7 =	vmand vm0, vm15  }
0x39: {  	v2 =	vsel vm0, v6, v9;
	v1 =	vsel vm7, v9, v1  }
0x3a: {  	v3 =	vadd.f32 v1, v2;
	_ =	sdelay $0x1  }
0x3b: {  	(erf) = vrcp.f32 v3;
	_ =	sdelay $0x2  }
0x3c: {  	v3 =	vsel vm1, $0x1, v0  }
0x3d: {  	v3 =	vsel vm2, $0x2, v3  }
0x3e: {  	v3 =	vsel vm3, $0x3, v3  }
0x3f: {  	s31 =	simm.s32 $0x0;
	v3 =	vsel vm4, $0x4, v3  }
0x40: {  	s12 =	sand.u32 $0xFFFFFF00, s31;
	v3 =	vsel vm5, $0x5, v3  }
0x41: {  	s14 =	sor.u32 s11, s12;
	v3 =	vsel vm6, $0x6, v3  }
0x42: {  	[tilespmem:s14+$0x1400] =	vst v10;
	v3 =	vsel vm7, $0x7, v3;
	v63 =	vpop (erf)  }
0x43: {  	s15 =	simm.s32 $0x2;
	s11 =	simm.s32 $0x1;
	s12 =	simm.s32 $0x0;
	[tilespmem:s14+$0x1480] =	vst v3;
	v2 =	vmul.f32 v63, v2;
	v1 =	vmul.f32 v63, v1  }
.LBB2_2:
0x44: {  	s16 =	sshll.u32 s11, $0x7  }
0x45: {  	s12 =	sadd.s32 $0x10, s12;
	s17 =	smov.u32 s15;
	s13 =	sadd.s32 $0x1, s15  }
0x46: {  	p0 =	sne.s32 s15, $0x1F;
	s15 =	sand.u32 $0x70, s12;
	s16 =	sand.u32 $0x3FFFFC00, s16;
	[tilespmem:s14+$0x1000] =	vst v2  }
0x47: {  	s16 =	sor.u32 s15, s16;
	[tilespmem:s14+$0x1080] =	vst v1  }
0x48: {  	v1 =	vld [tilespmem:s16+$0x0]  }
0x49: {  	v2 =	vld [tilespmem:s16+$0x80];
	_ =	sdelay $0x1  }
0x4a: {  	v3 =	vld [tilespmem:s16+$0x100];
	_ =	sdelay $0x1  }
0x4b: {  	v4 =	vld [tilespmem:s16+$0x180]  }
0x4c: {  	vm0 =	vgt.f32 v2, v1  }
0x4d: {  	v5 =	vld [tilespmem:s16+$0x200];
	v6 =	vsel vm0, v2, v1  }
0x4e: {  	vm1 =	vgt.f32 v3, v6  }
0x4f: {  	v7 =	vld [tilespmem:s16+$0x280];
	v6 =	vsel vm1, v3, v6  }
0x50: {  	vm2 =	vgt.f32 v4, v6  }
0x51: {  	v8 =	vld [tilespmem:s16+$0x300];
	v6 =	vsel vm2, v4, v6  }
0x52: {  	vm3 =	vgt.f32 v5, v6  }
0x53: {  	v10 =	vsel vm0, $0x1, v0;
	v9 =	vld [tilespmem:s16+$0x380];
	v6 =	vsel vm3, v5, v6  }
0x54: {  	v10 =	vsel vm1, $0x2, v10;
	vm0 =	vgt.f32 v7, v6  }
0x55: {  	v10 =	vsel vm2, $0x3, v10;
	v6 =	vsel vm0, v7, v6  }
0x56: {  	v10 =	vsel vm3, $0x4, v10;
	vm1 =	vgt.f32 v8, v6  }
0x57: {  	v10 =	vsel vm0, $0x5, v10;
	v6 =	vsel vm1, v8, v6  }
0x58: {  	s14 =	sshll.u32 s11, $0x5;
	s11 =	smov.u32 s17;
	v10 =	vsel vm1, $0x6, v10;
	vm0 =	vgt.f32 v9, v6  }
0x59: {  	s14 =	sand.u32 $0xFFFFFF00, s14;
	vm0 =	vmneg vm0  }
0x5a: {  	s14 =	sor.u32 s15, s14;
	vm1 =	vgt.f32 v1, $-1.000000000e+00;
	v6 =	vsel vm0, v6, v9;
	v10 =	vnsel vm0, $0x7, v10  }
0x5b: {  	vm2 =	vne.s32 v10, $0x0;
	[tilespmem:s14+$0x1400] =	vst v10  }
0x5c: {  	vm1 =	vmand vm1, vm2  }
0x5d: {  	v1 =	vnsel vm1, $0xBF800000, v1;
	vm1 =	vne.s32 v10, $0x1  }
0x5e: {  	vm2 =	vgt.f32 v2, v1  }
0x5f: {  	vm1 =	vmand vm1, vm2  }
0x60: {  	vm2 =	vne.s32 v10, $0x2;
	v1 =	vsel vm1, v2, v1  }
0x61: {  	vm3 =	vgt.f32 v3, v1  }
0x62: {  	vm2 =	vmand vm2, vm3  }
0x63: {  	vm3 =	vne.s32 v10, $0x3;
	v1 =	vsel vm2, v3, v1  }
0x64: {  	vm4 =	vgt.f32 v4, v1  }
0x65: {  	vm3 =	vmand vm3, vm4  }
0x66: {  	vm4 =	vne.s32 v10, $0x4;
	v1 =	vsel vm3, v4, v1  }
0x67: {  	vm5 =	vgt.f32 v5, v1  }
0x68: {  	vm4 =	vmand vm4, vm5  }
0x69: {  	vm5 =	vne.s32 v10, $0x5;
	v1 =	vsel vm4, v5, v1  }
0x6a: {  	vm6 =	vgt.f32 v7, v1  }
0x6b: {  	vm5 =	vmand vm5, vm6  }
0x6c: {  	v2 =	vsel vm1, $0x1, v0;
	vm1 =	vne.s32 v10, $0x6;
	v1 =	vsel vm5, v7, v1  }
0x6d: {  	v2 =	vsel vm2, $0x2, v2;
	vm2 =	vgt.f32 v8, v1  }
0x6e: {  	v2 =	vsel vm3, $0x3, v2;
	vm1 =	vmand vm1, vm2  }
0x6f: {  	v2 =	vsel vm4, $0x4, v2;
	v1 =	vsel vm1, v8, v1  }
0x70: {  	v2 =	vsel vm5, $0x5, v2;
	vm2 =	vgt.f32 v9, v1  }
0x71: {  	v2 =	vsel vm1, $0x6, v2;
	vm0 =	vmand vm0, vm2  }
0x72: {  	v1 =	vsel vm0, v9, v1;
	v2 =	vsel vm0, $0x7, v2  }
0x73: {  	v3 =	vadd.f32 v1, v6;
	[tilespmem:s14+$0x1480] =	vst v2;
	_ =	sdelay $0x1  }
0x74: {  	(erf) = vrcp.f32 v3;
	_ =	sdelay $0x5  }
.Ltmp0:
0x75: {  	(pc) =	sbr.rel @p0 .LBB2_2-.Ltmp0, $3  }
0x76: {  	_ =	sdelay $0x1  }
0x77: {  	v3 =	vpop (erf)  }
0x78: {  	s15 =	smov.u32 s13;
	v2 =	vmul.f32 v3, v6;
	v1 =	vmul.f32 v3, v1  }
0x79: {  	s13 =	sshll.u32 s11, $0x7;
	s12 =	sadd.s32 $0x10, s12  }
0x7a: {  	s12 =	sand.u32 $0x70, s12;
	s13 =	sand.u32 $0x3FFFFC00, s13;
	[tilespmem:s14+$0x1000] =	vst v2  }
0x7b: {  	[tilespmem:s14+$0x1080] =	vst v1;
	s13 =	sor.u32 s12, s13  }
0x7c: {  	v1 =	vld [tilespmem:s13+$0x0]  }
0x7d: {  	v2 =	vld [tilespmem:s13+$0x80];
	_ =	sdelay $0x1  }
0x7e: {  	v3 =	vld [tilespmem:s13+$0x100];
	_ =	sdelay $0x1  }
0x7f: {  	v4 =	vld [tilespmem:s13+$0x180]  }
0x80: {  	vm0 =	vgt.f32 v2, v1  }
0x81: {  	v5 =	vld [tilespmem:s13+$0x200];
	v6 =	vsel vm0, v2, v1  }
0x82: {  	vm1 =	vgt.f32 v3, v6  }
0x83: {  	v7 =	vld [tilespmem:s13+$0x280];
	v6 =	vsel vm1, v3, v6  }
0x84: {  	vm2 =	vgt.f32 v4, v6  }
0x85: {  	v8 =	vld [tilespmem:s13+$0x300];
	v6 =	vsel vm2, v4, v6  }
0x86: {  	vm3 =	vgt.f32 v5, v6  }
0x87: {  	v9 =	vld [tilespmem:s13+$0x380];
	v6 =	vsel vm3, v5, v6  }
0x88: {  	v10 =	vsel vm0, $0x1, v0;
	vm14 =	vgt.f32 v7, v6  }
0x89: {  	v10 =	vsel vm1, $0x2, v10;
	v6 =	vsel vm14, v7, v6  }
0x8a: {  	v10 =	vsel vm2, $0x3, v10;
	vm15 =	vgt.f32 v8, v6  }
0x8b: {  	v10 =	vsel vm3, $0x4, v10;
	v6 =	vsel vm15, v8, v6  }
0x8c: {  	v10 =	vsel vm14, $0x5, v10;
	vm4 =	vgt.f32 v9, v6  }
0x8d: {  	v10 =	vsel vm15, $0x6, v10;
	vm0 =	vmneg vm4  }
0x8e: {  	v10 =	vnsel vm0, $0x7, v10  }
0x8f: {  	vm5 =	vgt.f32 v1, $-1.000000000e+00;
	vm6 =	vne.s32 v10, $0x0  }
0x90: {  	vm1 =	vmand vm5, vm6  }
0x91: {  	v1 =	vnsel vm1, $0xBF800000, v1  }
0x92: {  	vm7 =	vne.s32 v10, $0x1;
	vm8 =	vgt.f32 v2, v1  }
0x93: {  	vm1 =	vmand vm7, vm8  }
0x94: {  	v1 =	vsel vm1, v2, v1  }
0x95: {  	vm9 =	vne.s32 v10, $0x2;
	vm10 =	vgt.f32 v3, v1  }
0x96: {  	vm2 =	vmand vm9, vm10  }
0x97: {  	v1 =	vsel vm2, v3, v1  }
0x98: {  	vm11 =	vne.s32 v10, $0x3;
	vm4 =	vgt.f32 v4, v1  }
0x99: {  	vm3 =	vmand vm11, vm4  }
0x9a: {  	v1 =	vsel vm3, v4, v1  }
0x9b: {  	vm12 =	vne.s32 v10, $0x4;
	vm5 =	vgt.f32 v5, v1  }
0x9c: {  	vm4 =	vmand vm12, vm5  }
0x9d: {  	v1 =	vsel vm4, v5, v1  }
0x9e: {  	vm13 =	vne.s32 v10, $0x5;
	vm6 =	vgt.f32 v7, v1  }
0x9f: {  	vm5 =	vmand vm13, vm6  }
0xa0: {  	v1 =	vsel vm5, v7, v1  }
0xa1: {  	vm14 =	vne.s32 v10, $0x6;
	vm7 =	vgt.f32 v8, v1  }
0xa2: {  	vm6 =	vmand vm14, vm7  }
0xa3: {  	v1 =	vsel vm6, v8, v1  }
0xa4: {  	vm15 =	vgt.f32 v9, v1  }
0xa5: {  	vm7 =	vmand vm0, vm15  }
0xa6: {  	v2 =	vsel vm0, v6, v9;
	v1 =	vsel vm7, v9, v1  }
0xa7: {  	v3 =	vadd.f32 v1, v2;
	_ =	sdelay $0x1  }
0xa8: {  	(erf) = vrcp.f32 v3;
	_ =	sdelay $0x3  }
0xa9: {  	v3 =	vsel vm1, $0x1, v0  }
0xaa: {  	v3 =	vsel vm2, $0x2, v3  }
0xab: {  	v3 =	vsel vm3, $0x3, v3  }
0xac: {  	s31 =	sshll.u32 s11, $0x5;
	v3 =	vsel vm4, $0x4, v3  }
0xad: {  	s11 =	sand.u32 $0xFFFFFF00, s31;
	v3 =	vsel vm5, $0x5, v3  }
0xae: {  	s11 =	sor.u32 s12, s11;
	v3 =	vsel vm6, $0x6, v3;
	v63 =	vpop (erf)  }
0xaf: {  	[tilespmem:s11+$0x1400] =	vst v10;
	v3 =	vsel vm7, $0x7, v3;
	v2 =	vmul.f32 v63, v2  }
0xb0: {  	[tilespmem:s11+$0x1480] =	vst v3;
	v1 =	vmul.f32 v63, v1  }
0xb1: {  	[tilespmem:s11+$0x1000] =	vst v2  }
0xb2: {  	[tilespmem:s11+$0x1080] =	vst v1  }
0xb3: {  	[hbm4b:s4+s2] =	stream.linear.scatter [tilespmem:s8], [sflag:$0x1], $0x400, $0x38;
	[tilespmem:$0x1800] =	vst v63  }
0xb4: {  	s10 =	sadd.s32 $0x1, s10;
	_ =	swait.ge [sflag:s7], $0x400  }
0xb5: {  	p0 =	sne.s32 s10, s6;
	[sflag:s7] =	ssyncset.done $0x0  }
.Ltmp1:
0xb6: {  	[sflag:s7] =	ssyncadd.s32 $0xFFFFFC00;
	(pc) =	sbr.rel @p0 .LBB2_1-.Ltmp1, $4  }
0xb7: {  	[hbm4b:s5+s2] =	stream.linear.scatter [tilespmem:s9], [sflag:$0x1], $0x400, $0x38;
	[tilespmem:$0x1800] =	vst v63  }
0xb8: {  	_ =	swait.ge [sflag:s7], $0x400  }
0xb9: {  	[sflag:s7] =	ssyncset.done $0x0  }
0xba: {  	[sflag:s7] =	ssyncadd.s32 $0xFFFFFC00  }
0xbb: {  	_ =	sfence.sel $0x180000  }
0xbc: {  	[bflag:$0x0] =	sbarrier.arrive $0xFFFF  }
0xbd: {  	p0 =	sne.s32 s1, $0x0;
	_ =	strace $0x9000004A  }
0xbe: {  	s0 =	sadd.s32 @!p0 $0x100000, s0;
	[bflag:$0x2] =	sbarrier.arrive $0xFFFF  }
0xbf: {  	[sflag:s0] =	ssyncadd.tile.s32 @!p0 $0x1;
	_ =	shalt  }
.Lfunc_end2:
_tile_overlayer_lowered:
.L_overlay_start_2:
0xc0: {  	(tag) =	ssettag $0x2  }
0xc1: {  	s0 =	rddreg [dreg:$0x0];
	s2 =	stileid.u32  }
0xc2: {  	s1 =	rddreg [dreg:$0x1];
	p0 =	sne.s32 s2, $0x0  }
0xc3: {  	s3 =	rddreg [dreg:$0x2];
	[bflag:$0x3] =	sbarrier.arrive $0xFFFF;
	s2 =	simm.s32 @!p0 $0x1C01  }
0xc4: {  	[timem:s3], [sflag:s2] =	dma.local @!p0 [hbm:s0], s1  }
0xc5: {  	s0 =	simm.s32 @!p0 $0x1  }
0xc6: {  	_ =	swait.ge @!p0 [sflag:s0], s1  }
0xc7: {  	s1 =	ssub.s32 @!p0 $0x0, s1;
	[sflag:s0] =	ssyncset.done @!p0 $0x0  }
0xc8: {  	[sflag:s0] =	ssyncadd.s32 @!p0 s1  }
0xc9: {  	[bflag:$0x3] =	sbarrier.arrive $0xFFFF  }
0xca: {  	_ =	shalt  }

// kernel: kernel.9.cloned.1.call-start
scs
__scs_entry_jumppad:
0x0: {  	(pc) =	sbr.rel $0x88, $3  }
0x1: {  	(tag) =	ssettag $0x0;
	lr =	simm.s32 $0x1  }
0x2: {  	[smem:$0x3F9F] =	sst lr;
	_ =	strace $0xD0000000  }
0x3: {  	_ = 	snop  }
0x4: {  	_ = 	snop  }
0x5: {  	_ = 	snop  }
0x6: {  	_ = 	snop  }
0x7: {  	_ = 	snop  }
__scs_overlays_trampoline_lowered:
0x8: {  	[smem:$0x3FAE] =	sst s0  }
0x9: {  	[smem:$0x3FAF] =	sst s1  }
0xa: {  	[smem:$0x3FB0] =	sst s2  }
0xb: {  	[smem:$0x3FB1] =	sst s3  }
0xc: {  	[smem:$0x3FB2] =	sst s4  }
0xd: {  	[smem:$0x3FB3] =	sst s5  }
0xe: {  	[smem:$0x3FB4] =	sst s6  }
0xf: {  	[smem:$0x3FB5] =	sst s7  }
0x10: {  	[smem:$0x3FB6] =	sst s8  }
0x11: {  	[smem:$0x3FB7] =	sst s9;
	s0 =	simm.s32 @!p0 $0x0  }
0x12: {  	s1 =	sld [smem:$0x3F9D];
	s0 =	simm.s32 @p0 $0x1  }
0x13: {  	[smem:$0x3FB8] =	sst s0;
	s0 =	simm.s32 @!p1 $0x0  }
0x14: {  	s2 =	sld [smem:$0x3F9C];
	s0 =	simm.s32 @p1 $0x1  }
0x15: {  	[smem:$0x3FB9] =	sst s0;
	s0 =	simm.s32 @!p2 $0x0  }
0x16: {  	s3 =	sld [smem:$0x3FDB];
	s0 =	simm.s32 @p2 $0x1  }
0x17: {  	s4 =	simm.s32 $0x1BF5;
	[smem:$0x3FBB] =	sst s0  }
0x18: {  	s0 =	sld [smem:$0x3F9E];
	_ =	swait.ge [sflag:s4], $0x0  }
0x19: {  	s7 =	sld [smem:$0x3F9F]  }
0x1a: {  	s8 =	sadd.s32 $0xFFFFE003, lr  }
0x1b: {  	s9 =	sadd.s32 $0xFFFFFEF7, lr;
	s5 =	simm.s32 $0xFFFFFFFF;
	p2 =	slt.u32 s8, $0xFFFFF086  }
0x1c: {  	p1 =	slt.u32 s9, $0xF7A;
	s5 =	simm.s32 @!p2 $0x0  }
0x1d: {  	s5 =	simm.s32 @p1 $0x1;
	p0 =	seq.s32 s7, s2  }
0x1e: {  	s7 =	smul.u32 @!p0 $0xF7A, s2;
	p2 =	seq.s32 @!p0 s5, $0x0  }
0x1f: {  	s9 =	smul.u32 $0xF7A, s1;
	s8 =	simm.s32 @!p0 $0x1BF5;
	p2 =	por !p2, p0  }
0x20: {  	[sflag:s8] =	ssyncset.s32 @!p0 $0xFFFFF086;
	s6 =	sadd.s32 @!p0 s3, s7;
	s7 =	simm.s32 @!p0 $0x108  }
0x21: {  	s3 =	sadd.s32 s3, s9;
	s6 =	sadd.s32 @!p0 $0x88, s6;
	s7 =	simm.s32 @p2 $0x1082  }
0x22: {  	[simem:s7], [sflag:s8] =	dma.local @!p0 [hbm:s6], $0xF7A  }
0x23: {  	s9 =	sor.u32 $0xD0000000, s2;
	s6 =	simm.s32 $0x108;
	_ =	swait.ge @!p0 [sflag:s8], $0x0  }
0x24: {  	s3 =	sadd.s32 $0x88, s3;
	s6 =	simm.s32 @!p1 $0x1082;
	[sflag:s4] =	ssyncset.s32 $0xFFFFF086  }
0x25: {  	[simem:s6], [sflag:s4] =	dma.local [hbm:s3], $0xF7A  }
0x26: {  	[smem:$0x3F9F] =	sst s1;
	(tag) =	ssettag s2;
	_ =	strace s9  }
0x27: {  	s1 =	sld [smem:$0x3FAF]  }
0x28: {  	s2 =	sld [smem:$0x3FB0]  }
0x29: {  	s4 =	sld [smem:$0x3FB2]  }
0x2a: {  	p0 =	seq.s32 s5, $0x0;
	s5 =	sld [smem:$0x3FB3]  }
0x2b: {  	s6 =	sld [smem:$0x3FB4]  }
0x2c: {  	s7 =	sld [smem:$0x3FB5]  }
0x2d: {  	s3 =	simm.s32 $0x108;
	s8 =	sld [smem:$0x3FB6]  }
0x2e: {  	s3 =	simm.s32 @!p0 $0x1082;
	s9 =	sld [smem:$0x3FB7]  }
0x2f: {  	lr =	sadd.s32 s0, s3;
	s0 =	sld [smem:$0x3FAE]  }
0x30: {  	s3 =	sld [smem:$0x3FB1]  }
0x31: {  	[smem:$0x3FBA] =	sst s10  }
0x32: {  	s10 =	sld [smem:$0x3FB8];
	_ =	sdelay $0x3  }
0x33: {  	p0 =	seq.s32 s10, $0x1;
	s10 =	sld [smem:$0x3FBA];
	_ =	sdelay $0x3  }
0x34: {  	[smem:$0x3FBA] =	sst s10  }
0x35: {  	s10 =	sld [smem:$0x3FB9];
	_ =	sdelay $0x3  }
0x36: {  	p1 =	seq.s32 s10, $0x1;
	s10 =	sld [smem:$0x3FBA];
	_ =	sdelay $0x3  }
0x37: {  	[smem:$0x3FBA] =	sst s10  }
0x38: {  	s10 =	sld [smem:$0x3FBB]  }
0x39: {  	_ = 	snop;
	(pc) =	sbr.ind lr, $3  }
0x3a: {  	_ = 	snop  }
0x3b: {  	_ = 	snop  }
0x3c: {  	p2 =	seq.s32 s10, $0x1;
	s10 =	sld [smem:$0x3FBA]  }
0x3d: {  	_ =	shalt  }
0x3e: {  	_ =	shalt  }
0x3f: {  	_ =	shalt  }
0x40: {  	_ =	shalt  }
0x41: {  	_ =	shalt  }
0x42: {  	_ =	shalt  }
0x43: {  	_ =	shalt  }
0x44: {  	_ =	shalt  }
0x45: {  	_ =	shalt  }
0x46: {  	_ =	shalt  }
0x47: {  	_ =	shalt  }
0x48: {  	_ =	shalt  }
0x49: {  	_ =	shalt  }
0x4a: {  	_ =	shalt  }
0x4b: {  	_ =	shalt  }
0x4c: {  	_ =	shalt  }
0x4d: {  	_ =	shalt  }
0x4e: {  	_ =	shalt  }
0x4f: {  	_ =	shalt  }
0x50: {  	_ =	shalt  }
0x51: {  	_ =	shalt  }
0x52: {  	_ =	shalt  }
0x53: {  	_ =	shalt  }
0x54: {  	_ =	shalt  }
0x55: {  	_ =	shalt  }
0x56: {  	_ =	shalt  }
0x57: {  	_ =	shalt  }
0x58: {  	_ =	shalt  }
0x59: {  	_ =	shalt  }
0x5a: {  	_ =	shalt  }
0x5b: {  	_ =	shalt  }
0x5c: {  	_ =	shalt  }
0x5d: {  	_ =	shalt  }
0x5e: {  	_ =	shalt  }
0x5f: {  	_ =	shalt  }
0x60: {  	_ =	shalt  }
0x61: {  	_ =	shalt  }
0x62: {  	_ =	shalt  }
0x63: {  	_ =	shalt  }
0x64: {  	_ =	shalt  }
0x65: {  	_ =	shalt  }
0x66: {  	_ =	shalt  }
0x67: {  	_ =	shalt  }
0x68: {  	_ =	shalt  }
0x69: {  	_ =	shalt  }
0x6a: {  	_ =	shalt  }
0x6b: {  	_ =	shalt  }
0x6c: {  	_ =	shalt  }
0x6d: {  	_ =	shalt  }
0x6e: {  	_ =	shalt  }
0x6f: {  	_ =	shalt  }
0x70: {  	_ =	shalt  }
0x71: {  	_ =	shalt  }
0x72: {  	_ =	shalt  }
0x73: {  	_ =	shalt  }
0x74: {  	_ =	shalt  }
0x75: {  	_ =	shalt  }
0x76: {  	_ =	shalt  }
0x77: {  	_ =	shalt  }
0x78: {  	_ =	shalt  }
0x79: {  	_ =	shalt  }
0x7a: {  	_ =	shalt  }
0x7b: {  	_ =	shalt  }
0x7c: {  	_ =	shalt  }
0x7d: {  	_ =	shalt  }
0x7e: {  	_ =	shalt  }
0x7f: {  	_ =	shalt  }
0x80: {  	_ =	shalt  }
0x81: {  	_ =	shalt  }
0x82: {  	_ =	shalt  }
0x83: {  	_ =	shalt  }
0x84: {  	_ =	shalt  }
0x85: {  	_ =	shalt  }
0x86: {  	_ =	shalt  }
0x87: {  	_ =	shalt  }
.Lfunc_end0:
.L_simem_size_0:
called_computation.1_lowered:
.L_overlay_start_0:
0x88: {  	s2 =	sld [smem:$0x3FD9]  }
0x89: {  	s3 =	sld [smem:$0x3FFE];
	_ =	sdelay $0x1  }
0x8a: {  	s1 =	srdreg.scid  }
0x8b: {  	s0 =	sand.u32 $0x1, s1  }
0x8c: {  	s16 =	sshll.u32 s0, $0xA;
	s2 =	sadd.s32 s3, s2  }
0x8d: {  	s2 =	sadd.s32 s2, s16  }
0x8e: {  	[smem:$0x3FC6] =	sst s2  }
0x8f: {  	_ = 	snop  }
0x90: {  	(tm) =	ssettm $0x1  }
0x91: {  	s17 =	sld [smem:$0x3FFB];
	_ =	sdelay $0x3  }
0x92: {  	_ =	strace s17  }
0x93: {  	s2 =	sld [smem:$0x3FFC];
	_ =	sdelay $0x3  }
0x94: {  	_ =	strace s2  }
0x95: {  	s2 =	sld [smem:$0x3FFD];
	_ =	sdelay $0x3  }
0x96: {  	_ =	strace s2  }
0x97: {  	_ =	strace $0x8FFFFFFF  }
0x98: {  	s18 =	sld [smem:$0x3FDB];
	_ =	sdelay $0x1  }
0x99: {  	s19 =	simm.s32 $_scs_section_size  }
0x9a: {  	s4 =	simm.s32 $_size__tile_overlayer_lowered;
	s5 =	simm.s32 $_tile_overlayer_lowered  }
0x9b: {  	s22 =	simm.s32 $0x1BFF;
	s21 =	sshll.u32 s5, $0x1;
	s2 =	sadd.s32 s19, s18  }
0x9c: {  	s6 =	simm.s32 $0x0;
	s20 =	sshll.u32 s4, $0x1;
	s4 =	sadd.s32 s21, s2  }
0x9d: {  	[timem:s6], [sflag:s22] =	dma.local [hbm:s4], s20  }
0x9e: {  	_ =	swait.ge [sflag:s22], s20  }
0x9f: {  	s3 =	ssub.s32 $0x0, s20;
	[sflag:s22] =	ssyncset.done $0x0  }
0xa0: {  	[sflag:s22] =	ssyncadd.s32 s3;
	_ =	sdelay $0x1  }
0xa1: {  	s23 =	simm.s32 $0x1B8B  }
0xa2: {  	_ =	swait.ge [sflag:s23], $0x1  }
0xa3: {  	[sflag:s23] =	ssyncset.done $0x0  }
0xa4: {  	s25 =	simm.s32 $0x1B8E;
	s24 =	sld [smem:$0x3FFE];
	[sflag:s23] =	ssyncadd.s32 $0xFFFFFFFF  }
0xa5: {  	s26 =	simm.s32 $execute0_lowered;
	[smem:$0x3FD2] =	sst s25  }
0xa6: {  	s4 =	sshll.u32 s26, $0x1;
	_ =	strace $0x80000046;
	[dreg:$0x1] =	wrdreg $0xFFFFFFFF  }
0xa7: {  	s28 =	simm.s32 $_size_execute0_lowered;
	s2 =	sadd.s32 s2, s4;
	[dreg:$0x0] =	wrdreg $0x0  }
0xa8: {  	s4 =	sshll.u32 s28, $0x1;
	[dreg:$0x2] =	wrdreg s2  }
0xa9: {  	[dreg:$0x3] =	wrdreg s4  }
0xaa: {  	[dreg:$0x4] =	wrdreg $0xC0  }
0xab: {  	_ =	task [dreg:s6], $0x5FFFF  }
0xac: {  	[dreg:$0x1] =	wrdreg $0xFFFFFFFF  }
0xad: {  	[dreg:$0x0] =	wrdreg $0x60  }
0xae: {  	[dreg:$0x2] =	wrdreg s24  }
0xaf: {  	[dreg:$0x3] =	wrdreg $0xA  }
0xb0: {  	_ =	task.clear_ibuf [dreg:s6], $0x4FFFF;
	_ =	strace $0x90000046  }
0xb1: {  	s29 =	simm.s32 $0xA;
	_ =	strace $0x80000048  }
0xb2: {  	_ =	swait.ge [sflag:s29], $0x1  }
0xb3: {  	[sflag:s29] =	ssyncadd.s32 $0xFFFFFFFF  }
0xb4: {  	_ =	strace $0x90000048  }
0xb5: {  	_ =	sfence  }
0xb6: {  	s30 =	sld [smem:$0x0];
	_ =	sdelay $0x2  }
0xb7: {  	s31 =	sshll.u32 s1, $0xD;
	s1 =	sshrl.u32 s1, $0x2  }
0xb8: {  	s3 =	sand.u32 $0x4000, s31;
	s1 =	sadd.s32 s1, s30  }
0xb9: {  	s0 =	sor.u32 s3, s0;
	s1 =	sshll.u32 s1, $0x11  }
0xba: {  	s0 =	sor.u32 s1, s0  }
0xbb: {  	s0 =	sadd.s32 $0x8F2B, s0  }
0xbc: {  	[sflag:s0] =	ssyncadd.remote.s32 $0x1  }
0xbd: {  	_ =	sfence.sel $0xFFFF  }
0xbe: {  	[dreg:$0x0] =	wrdreg $0xFFFFFFFF;
	(pc) =	sbr.abs _section_cstart, $3  }
0xbf: {  	[dreg:$0x1] =	wrdreg $0xFFFFFFFF  }
0xc0: {  	_ =	task.clear_ibuf [dreg:s6], $0x2FFFF;
	_ =	strace $0x9FFFFFFF  }
0xc1: {  	(tm) =	ssettm $0x7FFFFFFF  }
tec
execute0_lowered:
.L_overlay_start_1:
0x0: {  	(tag) =	ssettag $0x1  }
0x1: {  	s3 =	rddreg [dreg:$0x0];
	s2 =	srdreg.scid  }
0x2: {  	s0 =	rddreg [dreg:$0x1];
	s1 =	stileid.u32  }
0x3: {  	s8 =	simm.s32 $0x1000;
	s9 =	simm.s32 $0x1400;
	s4 =	sand.u32 $0x1, s2  }
0x4: {  	s2 =	simm.s32 $0x0;
	s5 =	sshll.u32 s1, $0xA;
	s6 =	sshll.u32 s4, $0x9  }
0x5: {  	s10 =	simm.s32 $0x0;
	[smem:$0x7FF] =	sst s2;
	s5 =	sor.u32 s6, s5  }
0x6: {  	s4 =	ssub.s32 $0x2, s4;
	_ =	strace $0x80000047;
	s6 =	sshrl.u32 s5, $0x2  }
0x7: {  	s31 =	sshrl.u32 s4, $0x1;
	s5 =	sadd.s32 s5, s3;
	s6 =	sadd.s32 s6, s3  }
0x8: {  	s7 =	ssub.s32 s4, s31;
	s3 =	sadd.s32 $0x1800, s5;
	s4 =	sadd.s32 $0x5800, s6  }
0x9: {  	v0 =	vimm.s32 $0x0;
	s5 =	sadd.s32 $0x6800, s6;
	s6 =	smax.u32 s7, $0x1;
	s7 =	simm.s32 $0x1  }
.LBB2_1:
0xa: {  	[tilespmem:s2], [sflag:$0x1] =	stream.linear.gather [hbm4b:s3+s2], $0x1000, $0x38;
	[tilespmem:$0x1800] =	vst v63  }
0xb: {  	s12 =	simm.s32 $0x0;
	_ =	swait.ge [sflag:s7], $0x1000  }
0xc: {  	s11 =	sand.u32 $0x70, s2;
	s12 =	sand.u32 $0x3FFFFC00, s12;
	[sflag:s7] =	ssyncset.done $0x0  }
0xd: {  	s12 =	sor.u32 s11, s12;
	[sflag:s7] =	ssyncadd.s32 $0xFFFFF000  }
0xe: {  	v1 =	vld [tilespmem:s12+$0x0]  }
0xf: {  	v2 =	vld [tilespmem:s12+$0x80];
	_ =	sdelay $0x1  }
0x10: {  	v3 =	vld [tilespmem:s12+$0x100];
	_ =	sdelay $0x1  }
0x11: {  	v4 =	vld [tilespmem:s12+$0x180]  }
0x12: {  	vm0 =	vgt.f32 v2, v1  }
0x13: {  	v5 =	vld [tilespmem:s12+$0x200];
	v6 =	vsel vm0, v2, v1  }
0x14: {  	vm1 =	vgt.f32 v3, v6  }
0x15: {  	v7 =	vld [tilespmem:s12+$0x280];
	v6 =	vsel vm1, v3, v6  }
0x16: {  	vm2 =	vgt.f32 v4, v6  }
0x17: {  	v8 =	vld [tilespmem:s12+$0x300];
	v6 =	vsel vm2, v4, v6  }
0x18: {  	vm3 =	vgt.f32 v5, v6  }
0x19: {  	v9 =	vld [tilespmem:s12+$0x380];
	v6 =	vsel vm3, v5, v6  }
0x1a: {  	v10 =	vsel vm0, $0x1, v0;
	vm14 =	vgt.f32 v7, v6  }
0x1b: {  	v10 =	vsel vm1, $0x2, v10;
	v6 =	vsel vm14, v7, v6  }
0x1c: {  	v10 =	vsel vm2, $0x3, v10;
	vm15 =	vgt.f32 v8, v6  }
0x1d: {  	v10 =	vsel vm3, $0x4, v10;
	v6 =	vsel vm15, v8, v6  }
0x1e: {  	v10 =	vsel vm14, $0x5, v10;
	vm4 =	vgt.f32 v9, v6  }
0x1f: {  	v10 =	vsel vm15, $0x6, v10;
	vm0 =	vmneg vm4  }
0x20: {  	v10 =	vnsel vm0, $0x7, v10  }
0x21: {  	vm5 =	vgt.f32 v1, $-1.000000000e+00;
	vm6 =	vne.s32 v10, $0x0  }
0x22: {  	vm1 =	vmand vm5, vm6  }
0x23: {  	v1 =	vnsel vm1, $0xBF800000, v1  }
0x24: {  	vm7 =	vne.s32 v10, $0x1;
	vm8 =	vgt.f32 v2, v1  }
0x25: {  	vm1 =	vmand vm7, vm8  }
0x26: {  	v1 =	vsel vm1, v2, v1  }
0x27: {  	vm9 =	vne.s32 v10, $0x2;
	vm10 =	vgt.f32 v3, v1  }
0x28: {  	vm2 =	vmand vm9, vm10  }
0x29: {  	v1 =	vsel vm2, v3, v1  }
0x2a: {  	vm11 =	vne.s32 v10, $0x3;
	vm4 =	vgt.f32 v4, v1  }
0x2b: {  	vm3 =	vmand vm11, vm4  }
0x2c: {  	v1 =	vsel vm3, v4, v1  }
0x2d: {  	vm12 =	vne.s32 v10, $0x4;
	vm5 =	vgt.f32 v5, v1  }
0x2e: {  	vm4 =	vmand vm12, vm5  }
0x2f: {  	v1 =	vsel vm4, v5, v1  }
0x30: {  	vm13 =	vne.s32 v10, $0x5;
	vm6 =	vgt.f32 v7, v1  }
0x31: {  	vm5 =	vmand vm13, vm6  }
0x32: {  	v1 =	vsel vm5, v7, v1  }
0x33: {  	vm14 =	vne.s32 v10, $0x6;
	vm7 =	vgt.f32 v8, v1  }
0x34: {  	vm6 =	vmand vm14, vm7  }
0x35: {  	v1 =	vsel vm6, v8, v1  }
0x36: {  	vm15 =	vgt.f32 v9, v1  }
0x37: {  	vm7 =	vmand vm0, vm15  }
0x38: {  	v2 =	vsel vm0, v6, v9;
	v1 =	vsel vm7, v9, v1  }
0x39: {  	v3 =	vadd.f32 v1, v2;
	_ =	sdelay $0x1  }
0x3a: {  	(erf) = vrcp.f32 v3;
	_ =	sdelay $0x2  }
0x3b: {  	v3 =	vsel vm1, $0x1, v0  }
0x3c: {  	v3 =	vsel vm2, $0x2, v3  }
0x3d: {  	v3 =	vsel vm3, $0x3, v3  }
0x3e: {  	s31 =	simm.s32 $0x0;
	v3 =	vsel vm4, $0x4, v3  }
0x3f: {  	s12 =	sand.u32 $0xFFFFFF00, s31;
	v3 =	vsel vm5, $0x5, v3  }
0x40: {  	s14 =	sor.u32 s11, s12;
	v3 =	vsel vm6, $0x6, v3  }
0x41: {  	[tilespmem:s14+$0x1400] =	vst v10;
	v3 =	vsel vm7, $0x7, v3;
	v63 =	vpop (erf)  }
0x42: {  	s15 =	simm.s32 $0x2;
	s11 =	simm.s32 $0x1;
	s12 =	simm.s32 $0x0;
	[tilespmem:s14+$0x1480] =	vst v3;
	v2 =	vmul.f32 v63, v2;
	v1 =	vmul.f32 v63, v1  }
.LBB2_2:
0x43: {  	s16 =	sshll.u32 s11, $0x7  }
0x44: {  	s12 =	sadd.s32 $0x10, s12;
	s17 =	smov.u32 s15;
	s13 =	sadd.s32 $0x1, s15  }
0x45: {  	p0 =	sne.s32 s15, $0x1F;
	s15 =	sand.u32 $0x70, s12;
	s16 =	sand.u32 $0x3FFFFC00, s16;
	[tilespmem:s14+$0x1000] =	vst v2  }
0x46: {  	s16 =	sor.u32 s15, s16;
	[tilespmem:s14+$0x1080] =	vst v1  }
0x47: {  	v1 =	vld [tilespmem:s16+$0x0]  }
0x48: {  	v2 =	vld [tilespmem:s16+$0x80];
	_ =	sdelay $0x1  }
0x49: {  	v3 =	vld [tilespmem:s16+$0x100];
	_ =	sdelay $0x1  }
0x4a: {  	v4 =	vld [tilespmem:s16+$0x180]  }
0x4b: {  	vm0 =	vgt.f32 v2, v1  }
0x4c: {  	v5 =	vld [tilespmem:s16+$0x200];
	v6 =	vsel vm0, v2, v1  }
0x4d: {  	vm1 =	vgt.f32 v3, v6  }
0x4e: {  	v7 =	vld [tilespmem:s16+$0x280];
	v6 =	vsel vm1, v3, v6  }
0x4f: {  	vm2 =	vgt.f32 v4, v6  }
0x50: {  	v8 =	vld [tilespmem:s16+$0x300];
	v6 =	vsel vm2, v4, v6  }
0x51: {  	vm3 =	vgt.f32 v5, v6  }
0x52: {  	v10 =	vsel vm0, $0x1, v0;
	v9 =	vld [tilespmem:s16+$0x380];
	v6 =	vsel vm3, v5, v6  }
0x53: {  	v10 =	vsel vm1, $0x2, v10;
	vm0 =	vgt.f32 v7, v6  }
0x54: {  	v10 =	vsel vm2, $0x3, v10;
	v6 =	vsel vm0, v7, v6  }
0x55: {  	v10 =	vsel vm3, $0x4, v10;
	vm1 =	vgt.f32 v8, v6  }
0x56: {  	v10 =	vsel vm0, $0x5, v10;
	v6 =	vsel vm1, v8, v6  }
0x57: {  	s14 =	sshll.u32 s11, $0x5;
	s11 =	smov.u32 s17;
	v10 =	vsel vm1, $0x6, v10;
	vm0 =	vgt.f32 v9, v6  }
0x58: {  	s14 =	sand.u32 $0xFFFFFF00, s14;
	vm0 =	vmneg vm0  }
0x59: {  	s14 =	sor.u32 s15, s14;
	vm1 =	vgt.f32 v1, $-1.000000000e+00;
	v6 =	vsel vm0, v6, v9;
	v10 =	vnsel vm0, $0x7, v10  }
0x5a: {  	vm2 =	vne.s32 v10, $0x0;
	[tilespmem:s14+$0x1400] =	vst v10  }
0x5b: {  	vm1 =	vmand vm1, vm2  }
0x5c: {  	v1 =	vnsel vm1, $0xBF800000, v1;
	vm1 =	vne.s32 v10, $0x1  }
0x5d: {  	vm2 =	vgt.f32 v2, v1  }
0x5e: {  	vm1 =	vmand vm1, vm2  }
0x5f: {  	vm2 =	vne.s32 v10, $0x2;
	v1 =	vsel vm1, v2, v1  }
0x60: {  	vm3 =	vgt.f32 v3, v1  }
0x61: {  	vm2 =	vmand vm2, vm3  }
0x62: {  	vm3 =	vne.s32 v10, $0x3;
	v1 =	vsel vm2, v3, v1  }
0x63: {  	vm4 =	vgt.f32 v4, v1  }
0x64: {  	vm3 =	vmand vm3, vm4  }
0x65: {  	vm4 =	vne.s32 v10, $0x4;
	v1 =	vsel vm3, v4, v1  }
0x66: {  	vm5 =	vgt.f32 v5, v1  }
0x67: {  	vm4 =	vmand vm4, vm5  }
0x68: {  	vm5 =	vne.s32 v10, $0x5;
	v1 =	vsel vm4, v5, v1  }
0x69: {  	vm6 =	vgt.f32 v7, v1  }
0x6a: {  	vm5 =	vmand vm5, vm6  }
0x6b: {  	v2 =	vsel vm1, $0x1, v0;
	vm1 =	vne.s32 v10, $0x6;
	v1 =	vsel vm5, v7, v1  }
0x6c: {  	v2 =	vsel vm2, $0x2, v2;
	vm2 =	vgt.f32 v8, v1  }
0x6d: {  	v2 =	vsel vm3, $0x3, v2;
	vm1 =	vmand vm1, vm2  }
0x6e: {  	v2 =	vsel vm4, $0x4, v2;
	v1 =	vsel vm1, v8, v1  }
0x6f: {  	v2 =	vsel vm5, $0x5, v2;
	vm2 =	vgt.f32 v9, v1  }
0x70: {  	v2 =	vsel vm1, $0x6, v2;
	vm0 =	vmand vm0, vm2  }
0x71: {  	v1 =	vsel vm0, v9, v1;
	v2 =	vsel vm0, $0x7, v2  }
0x72: {  	v3 =	vadd.f32 v1, v6;
	[tilespmem:s14+$0x1480] =	vst v2;
	_ =	sdelay $0x1  }
0x73: {  	(erf) = vrcp.f32 v3;
	_ =	sdelay $0x5  }
.Ltmp0:
0x74: {  	(pc) =	sbr.rel @p0 .LBB2_2-.Ltmp0, $3  }
0x75: {  	_ =	sdelay $0x1  }
0x76: {  	v3 =	vpop (erf)  }
0x77: {  	s15 =	smov.u32 s13;
	v2 =	vmul.f32 v3, v6;
	v1 =	vmul.f32 v3, v1  }
0x78: {  	s13 =	sshll.u32 s11, $0x7;
	s12 =	sadd.s32 $0x10, s12  }
0x79: {  	s12 =	sand.u32 $0x70, s12;
	s13 =	sand.u32 $0x3FFFFC00, s13;
	[tilespmem:s14+$0x1000] =	vst v2  }
0x7a: {  	[tilespmem:s14+$0x1080] =	vst v1;
	s13 =	sor.u32 s12, s13  }
0x7b: {  	v1 =	vld [tilespmem:s13+$0x0]  }
0x7c: {  	v2 =	vld [tilespmem:s13+$0x80];
	_ =	sdelay $0x1  }
0x7d: {  	v3 =	vld [tilespmem:s13+$0x100];
	_ =	sdelay $0x1  }
0x7e: {  	v4 =	vld [tilespmem:s13+$0x180]  }
0x7f: {  	vm0 =	vgt.f32 v2, v1  }
0x80: {  	v5 =	vld [tilespmem:s13+$0x200];
	v6 =	vsel vm0, v2, v1  }
0x81: {  	vm1 =	vgt.f32 v3, v6  }
0x82: {  	v7 =	vld [tilespmem:s13+$0x280];
	v6 =	vsel vm1, v3, v6  }
0x83: {  	vm2 =	vgt.f32 v4, v6  }
0x84: {  	v8 =	vld [tilespmem:s13+$0x300];
	v6 =	vsel vm2, v4, v6  }
0x85: {  	vm3 =	vgt.f32 v5, v6  }
0x86: {  	v9 =	vld [tilespmem:s13+$0x380];
	v6 =	vsel vm3, v5, v6  }
0x87: {  	v10 =	vsel vm0, $0x1, v0;
	vm14 =	vgt.f32 v7, v6  }
0x88: {  	v10 =	vsel vm1, $0x2, v10;
	v6 =	vsel vm14, v7, v6  }
0x89: {  	v10 =	vsel vm2, $0x3, v10;
	vm15 =	vgt.f32 v8, v6  }
0x8a: {  	v10 =	vsel vm3, $0x4, v10;
	v6 =	vsel vm15, v8, v6  }
0x8b: {  	v10 =	vsel vm14, $0x5, v10;
	vm4 =	vgt.f32 v9, v6  }
0x8c: {  	v10 =	vsel vm15, $0x6, v10;
	vm0 =	vmneg vm4  }
0x8d: {  	v10 =	vnsel vm0, $0x7, v10  }
0x8e: {  	vm5 =	vgt.f32 v1, $-1.000000000e+00;
	vm6 =	vne.s32 v10, $0x0  }
0x8f: {  	vm1 =	vmand vm5, vm6  }
0x90: {  	v1 =	vnsel vm1, $0xBF800000, v1  }
0x91: {  	vm7 =	vne.s32 v10, $0x1;
	vm8 =	vgt.f32 v2, v1  }
0x92: {  	vm1 =	vmand vm7, vm8  }
0x93: {  	v1 =	vsel vm1, v2, v1  }
0x94: {  	vm9 =	vne.s32 v10, $0x2;
	vm10 =	vgt.f32 v3, v1  }
0x95: {  	vm2 =	vmand vm9, vm10  }
0x96: {  	v1 =	vsel vm2, v3, v1  }
0x97: {  	vm11 =	vne.s32 v10, $0x3;
	vm4 =	vgt.f32 v4, v1  }
0x98: {  	vm3 =	vmand vm11, vm4  }
0x99: {  	v1 =	vsel vm3, v4, v1  }
0x9a: {  	vm12 =	vne.s32 v10, $0x4;
	vm5 =	vgt.f32 v5, v1  }
0x9b: {  	vm4 =	vmand vm12, vm5  }
0x9c: {  	v1 =	vsel vm4, v5, v1  }
0x9d: {  	vm13 =	vne.s32 v10, $0x5;
	vm6 =	vgt.f32 v7, v1  }
0x9e: {  	vm5 =	vmand vm13, vm6  }
0x9f: {  	v1 =	vsel vm5, v7, v1  }
0xa0: {  	vm14 =	vne.s32 v10, $0x6;
	vm7 =	vgt.f32 v8, v1  }
0xa1: {  	vm6 =	vmand vm14, vm7  }
0xa2: {  	v1 =	vsel vm6, v8, v1  }
0xa3: {  	vm15 =	vgt.f32 v9, v1  }
0xa4: {  	vm7 =	vmand vm0, vm15  }
0xa5: {  	v2 =	vsel vm0, v6, v9;
	v1 =	vsel vm7, v9, v1  }
0xa6: {  	v3 =	vadd.f32 v1, v2;
	_ =	sdelay $0x1  }
0xa7: {  	(erf) = vrcp.f32 v3;
	_ =	sdelay $0x3  }
0xa8: {  	v3 =	vsel vm1, $0x1, v0  }
0xa9: {  	v3 =	vsel vm2, $0x2, v3  }
0xaa: {  	v3 =	vsel vm3, $0x3, v3  }
0xab: {  	s31 =	sshll.u32 s11, $0x5;
	v3 =	vsel vm4, $0x4, v3  }
0xac: {  	s11 =	sand.u32 $0xFFFFFF00, s31;
	v3 =	vsel vm5, $0x5, v3  }
0xad: {  	s11 =	sor.u32 s12, s11;
	v3 =	vsel vm6, $0x6, v3;
	v63 =	vpop (erf)  }
0xae: {  	[tilespmem:s11+$0x1400] =	vst v10;
	v3 =	vsel vm7, $0x7, v3;
	v2 =	vmul.f32 v63, v2  }
0xaf: {  	[tilespmem:s11+$0x1480] =	vst v3;
	v1 =	vmul.f32 v63, v1  }
0xb0: {  	[tilespmem:s11+$0x1000] =	vst v2  }
0xb1: {  	[tilespmem:s11+$0x1080] =	vst v1  }
0xb2: {  	[hbm4b:s4+s2] =	stream.linear.scatter [tilespmem:s8], [sflag:$0x1], $0x400, $0x38;
	[tilespmem:$0x1800] =	vst v63  }
0xb3: {  	s10 =	sadd.s32 $0x1, s10;
	_ =	swait.ge [sflag:s7], $0x400  }
0xb4: {  	p0 =	sne.s32 s10, s6;
	[sflag:s7] =	ssyncset.done $0x0  }
.Ltmp1:
0xb5: {  	[sflag:s7] =	ssyncadd.s32 $0xFFFFFC00;
	(pc) =	sbr.rel @p0 .LBB2_1-.Ltmp1, $4  }
0xb6: {  	[hbm4b:s5+s2] =	stream.linear.scatter [tilespmem:s9], [sflag:$0x1], $0x400, $0x38;
	[tilespmem:$0x1800] =	vst v63  }
0xb7: {  	_ =	swait.ge [sflag:s7], $0x400  }
0xb8: {  	[sflag:s7] =	ssyncset.done $0x0  }
0xb9: {  	[sflag:s7] =	ssyncadd.s32 $0xFFFFFC00  }
0xba: {  	_ =	sfence.sel $0x180000  }
0xbb: {  	[bflag:$0x0] =	sbarrier.arrive $0xFFFF  }
0xbc: {  	p0 =	sne.s32 s1, $0x0;
	_ =	strace $0x90000047  }
0xbd: {  	s0 =	sadd.s32 @!p0 $0x100000, s0;
	[bflag:$0x2] =	sbarrier.arrive $0xFFFF  }
0xbe: {  	[sflag:s0] =	ssyncadd.tile.s32 @!p0 $0x1;
	_ =	shalt  }
.Lfunc_end2:
_tile_overlayer_lowered:
.L_overlay_start_2:
0xbf: {  	(tag) =	ssettag $0x2  }
0xc0: {  	s0 =	rddreg [dreg:$0x0];
	s2 =	stileid.u32  }
0xc1: {  	s1 =	rddreg [dreg:$0x1];
	p0 =	sne.s32 s2, $0x0  }
0xc2: {  	s3 =	rddreg [dreg:$0x2];
	[bflag:$0x3] =	sbarrier.arrive $0xFFFF;
	s2 =	simm.s32 @!p0 $0x1C01  }
0xc3: {  	[timem:s3], [sflag:s2] =	dma.local @!p0 [hbm:s0], s1  }
0xc4: {  	s0 =	simm.s32 @!p0 $0x1  }
0xc5: {  	_ =	swait.ge @!p0 [sflag:s0], s1  }
0xc6: {  	s1 =	ssub.s32 @!p0 $0x0, s1;
	[sflag:s0] =	ssyncset.done @!p0 $0x0  }
0xc7: {  	[sflag:s0] =	ssyncadd.s32 @!p0 s1  }
0xc8: {  	[bflag:$0x3] =	sbarrier.arrive $0xFFFF  }
0xc9: {  	_ =	shalt  }

</sc_bundles>
